<compile_context>
chip_gen: v7x
topology: tpu7x:2x2x1
jax: 0.10.2.dev20260603
libtpu: 0.0.44.dev20260713+nightly
codegen_flags: <defaults>
</compile_context>

<pallas_src>
import functools

import jax
import jax.numpy as jnp
from jax import lax
from jax.experimental import pallas as pl
from jax.experimental.pallas import tpu as pltpu
from jax.experimental.pallas import tpu_sc as plsc

VOCAB = 1000000
EMB = 32
BATCH = 4096
L = 200

_info = plsc.get_sparse_core_info()
_NC, _NS = _info.num_cores, _info.num_subcores
NW = _NC * _NS
BAGS_PER_W = BATCH // NW
IDX_PER_W = BAGS_PER_W * L
C0 = 128
C1 = L - C0


def _sc_body(x_hbm, emb_hbm, w_hbm, out_hbm, idx_v, buf0_v, buf1_v, w_v,
             part_v, out_v, sem0, sem1):
    wid = lax.axis_index("s") * _NC + lax.axis_index("c")
    pltpu.sync_copy(x_hbm.at[wid], idx_v)
    pltpu.sync_copy(w_hbm, w_v)
    w0 = w_v[pl.ds(0, 16)]
    w1 = w_v[pl.ds(16, 16)]
    zero = jnp.zeros((16,), jnp.float32)
    lane = lax.iota(jnp.int32, 16)

    def fire(buf, semx, t):
        base = t * L
        pltpu.async_copy(emb_hbm.at[idx_v.at[pl.ds(base, C0)]],
                         buf.at[pl.ds(0, C0)], semx)
        pltpu.async_copy(emb_hbm.at[idx_v.at[pl.ds(base + C0, C1)]],
                         buf.at[pl.ds(C0, C1)], semx)

    def wait_buf(buf, semx):
        pltpu.make_async_copy(emb_hbm.at[idx_v.at[pl.ds(0, C0)]],
                              buf.at[pl.ds(0, C0)], semx).wait()
        pltpu.make_async_copy(emb_hbm.at[idx_v.at[pl.ds(0, C1)]],
                              buf.at[pl.ds(C0, C1)], semx).wait()

    def consume(buf):
        def row_body(r, accs):
            a0, a1, b0, b1 = accs
            rr = r * 8
            for q in range(0, 8, 2):
                a0 = a0 + buf[rr + q, pl.ds(0, 16)]
                a1 = a1 + buf[rr + q, pl.ds(16, 16)]
                b0 = b0 + buf[rr + q + 1, pl.ds(0, 16)]
                b1 = b1 + buf[rr + q + 1, pl.ds(16, 16)]
            return (a0, a1, b0, b1)

        a0, a1, b0, b1 = lax.fori_loop(0, L // 8, row_body,
                                       (zero, zero, zero, zero))
        return (a0 + b0) * w0 + (a1 + b1) * w1

    fire(buf0_v, sem0, 0)

    def group_body(g, carry):
        def pair_body(p, carry2):
            t = g * 16 + p * 2
            fire(buf1_v, sem1, t + 1)
            wait_buf(buf0_v, sem0)
            part_v[p * 2] = consume(buf0_v)

            @pl.when(t + 2 < BAGS_PER_W)
            def _():
                fire(buf0_v, sem0, t + 2)

            wait_buf(buf1_v, sem1)
            part_v[p * 2 + 1] = consume(buf1_v)
            return carry2

        lax.fori_loop(0, 8, pair_body, 0)
        out_vec = zero
        for l in range(16):
            col = plsc.load_gather(part_v, [lane, jnp.full((16,), l, jnp.int32)])
            out_vec = out_vec + col
        out_v[pl.ds(g * 16, 16)] = out_vec
        return carry

    lax.fori_loop(0, BAGS_PER_W // 16, group_body, 0)
    pltpu.sync_copy(out_v, out_hbm.at[pl.ds(wid * BAGS_PER_W, BAGS_PER_W)])


@jax.jit
def _impl(x, emb, W, b):
    xr = x.astype(jnp.int32).reshape(NW, IDX_PER_W)
    wv = W.reshape(EMB)
    sc = pl.kernel(
        _sc_body,
        out_type=jax.ShapeDtypeStruct((BATCH,), jnp.float32),
        mesh=plsc.VectorSubcoreMesh(core_axis_name="c", subcore_axis_name="s"),
        compiler_params=pltpu.CompilerParams(needs_layout_passes=False,
                                             use_tc_tiling_on_sc=False),
        scratch_types=[
            pltpu.VMEM((IDX_PER_W,), jnp.int32),
            pltpu.VMEM((L, EMB), jnp.float32),
            pltpu.VMEM((L, EMB), jnp.float32),
            pltpu.VMEM((EMB,), jnp.float32),
            pltpu.VMEM((16, 16), jnp.float32),
            pltpu.VMEM((BAGS_PER_W,), jnp.float32),
            pltpu.SemaphoreType.DMA,
            pltpu.SemaphoreType.DMA,
        ],
    )
    dots = sc(xr, emb, wv)
    return dots.reshape(BATCH, 1) + b


def kernel(x, emb, W, b):
    return _impl(x, emb, W, b)

# --- scband reference (transcript-rebuilt; emitter-appended) ---
"""Pipeline reference for scband-spam-classifier-79465484910787 (READ-ONLY COPY).

The authoritative reference and input builder live on the scoring server;
editing this copy changes nothing except your own understanding.
"""

import jax, jax.numpy as jnp
import numpy as np

VOCAB = 1000000
EMB = 32
B = 4096
L = 200

def setup_inputs(seed: int = 0) -> dict:
    key = jax.random.key(seed)
    k1, k2, k3, k4 = jax.random.split(key, 4)
    x = jax.random.randint(k1, (B, L), 0, VOCAB, dtype=jnp.int64 if jax.config.jax_enable_x64 else jnp.int32)
    emb = jax.random.normal(k2, (VOCAB, EMB), dtype=jnp.float32) * 0.02
    W = jax.random.normal(k3, (1, EMB), dtype=jnp.float32) * 0.1
    b = jax.random.normal(k4, (1,), dtype=jnp.float32) * 0.01
    return {"x": x, "emb": emb, "W": W, "b": b}

def reference(x, emb, W, b):
    # embedded = self.embedding(x).sum(1)
    embedded = jnp.take(emb, x, axis=0).sum(axis=1)  # [B, EMB]
    # return self.fc(embedded)
    return embedded @ W.T + b  # [B, 1]

if __name__ == "__main__":
    import jax
    _d = setup_inputs()
    print(jax.jit(kernel)(*tuple(_d.values())))

</pallas_src>

<mosaic_0001>
#map = affine_map<(d0, d1) -> (0, 0)>
#map1 = affine_map<(d0, d1) -> (0)>
module attributes {stable_mosaic.version = 14 : i64} {
  func.func @_sc_body(%arg0: i32, %arg1: i32, %arg2: memref<32x25600xi32, #tpu.memory_space<hbm>>, %arg3: memref<1000000x32xf32, #tpu.memory_space<hbm>>, %arg4: memref<32xf32, #tpu.memory_space<hbm>>, %arg5: memref<4096xf32, #tpu.memory_space<hbm>>, %arg6: memref<25600xi32, #tpu.memory_space<vmem>>, %arg7: memref<200x32xf32, #tpu.memory_space<vmem>>, %arg8: memref<200x32xf32, #tpu.memory_space<vmem>>, %arg9: memref<32xf32, #tpu.memory_space<vmem>>, %arg10: memref<16x16xf32, #tpu.memory_space<vmem>>, %arg11: memref<128xf32, #tpu.memory_space<vmem>>, %arg12: memref<!tpu.dma_semaphore, #tpu.memory_space<semaphore_mem>>, %arg13: memref<!tpu.dma_semaphore, #tpu.memory_space<semaphore_mem>>) attributes {dimension_semantics = [#tpu.dimension_semantics<core_parallel>, #tpu.dimension_semantics<subcore_parallel>], iteration_bounds = array<i64: 2, 16>, scalar_prefetch = 0 : i64, scratch_operands = 8 : i64, tpu.core_type = #tpu.core_type<sc_vector_subcore>, window_params = [{transform_indices = #map}, {transform_indices = #map}, {transform_indices = #map1}, {transform_indices = #map1}]} {
    %mul3A = arith.constant 2 : i32
    %mul3A_0 = arith.muli %arg1, %mul3A : i32
    %add3A = arith.addi %mul3A_0, %arg0 : i32
    "tpu.region"() ({
      %run_scoped3A = tpu.sem_alloc : memref<!tpu.dma_semaphore, #tpu.memory_space<semaphore_mem>>
      %dma_start3A_27 = arith.constant 0 : i32
      %dma_start3A_28 = tpu.memref_slice %arg2[%add3A, %dma_start3A_27] : memref<32x25600xi32, #tpu.memory_space<hbm>> -> memref<1x25600xi32, #tpu.memory_space<hbm>>
      %dma_start3A_29 = tpu.memref_squeeze %dma_start3A_28 : memref<1x25600xi32, #tpu.memory_space<hbm>> -> memref<25600xi32, #tpu.memory_space<hbm>>
      %dma_start3A_30 = arith.constant 0 : i32
      %dma_start3A_31 = tpu.memref_slice %arg2[%add3A, %dma_start3A_30] : memref<32x25600xi32, #tpu.memory_space<hbm>> -> memref<1x25600xi32, #tpu.memory_space<hbm>>
      %dma_start3A_32 = tpu.memref_squeeze %dma_start3A_31 : memref<1x25600xi32, #tpu.memory_space<hbm>> -> memref<25600xi32, #tpu.memory_space<hbm>>
      tpu.enqueue_dma source(%dma_start3A_32 : memref<25600xi32, #tpu.memory_space<hbm>>) target(%arg6 : memref<25600xi32, #tpu.memory_space<vmem>>) target_semaphore(%run_scoped3A : memref<!tpu.dma_semaphore, #tpu.memory_space<semaphore_mem>>)
      %dma_wait3A = arith.constant 0 : i32
      %dma_wait3A_33 = tpu.memref_slice %arg2[%add3A, %dma_wait3A] : memref<32x25600xi32, #tpu.memory_space<hbm>> -> memref<1x25600xi32, #tpu.memory_space<hbm>>
      %dma_wait3A_34 = tpu.memref_squeeze %dma_wait3A_33 : memref<1x25600xi32, #tpu.memory_space<hbm>> -> memref<25600xi32, #tpu.memory_space<hbm>>
      %dma_wait3A_35 = arith.constant 0 : i32
      %dma_wait3A_36 = tpu.memref_slice %arg2[%add3A, %dma_wait3A_35] : memref<32x25600xi32, #tpu.memory_space<hbm>> -> memref<1x25600xi32, #tpu.memory_space<hbm>>
      %dma_wait3A_37 = tpu.memref_squeeze %dma_wait3A_36 : memref<1x25600xi32, #tpu.memory_space<hbm>> -> memref<25600xi32, #tpu.memory_space<hbm>>
      tpu.wait_dma2 semaphore(%run_scoped3A : memref<!tpu.dma_semaphore, #tpu.memory_space<semaphore_mem>>) src(%dma_wait3A_37 : memref<25600xi32, #tpu.memory_space<hbm>>) dst(%arg6 : memref<25600xi32, #tpu.memory_space<vmem>>)
      tpu.yield
    }) : () -> ()
    "tpu.region"() ({
      %run_scoped3A = tpu.sem_alloc : memref<!tpu.dma_semaphore, #tpu.memory_space<semaphore_mem>>
      tpu.enqueue_dma source(%arg4 : memref<32xf32, #tpu.memory_space<hbm>>) target(%arg9 : memref<32xf32, #tpu.memory_space<vmem>>) target_semaphore(%run_scoped3A : memref<!tpu.dma_semaphore, #tpu.memory_space<semaphore_mem>>)
      tpu.wait_dma2 semaphore(%run_scoped3A : memref<!tpu.dma_semaphore, #tpu.memory_space<semaphore_mem>>) src(%arg4 : memref<32xf32, #tpu.memory_space<hbm>>) dst(%arg9 : memref<32xf32, #tpu.memory_space<vmem>>)
      tpu.yield
    }) : () -> ()
    %get3A = arith.constant 0 : index
    %get3A_1 = tpu.vector_load %arg9[%get3A] {strides = array<i32>} : memref<32xf32, #tpu.memory_space<vmem>>, vector<16xf32>,
    %get3A_2 = arith.constant 16 : index
    %get3A_3 = tpu.vector_load %arg9[%get3A_2] {strides = array<i32>} : memref<32xf32, #tpu.memory_space<vmem>>, vector<16xf32>,
    %broadcast_in_dim3A = arith.constant 0.000000e+00 : f32
    %broadcast_in_dim3A_4 = vector.broadcast %broadcast_in_dim3A : f32 to vector<16xf32>
    %iota3A = tpu.iota {dimensions = array<i32: 0>} : vector<16xi32>
    %dma_start3A = arith.constant 0 : i32
    %dma_start3A_5 = arith.constant 0 : i32
    %dma_start3A_6 = tpu.memref_slice %arg7[%dma_start3A, %dma_start3A_5] : memref<200x32xf32, #tpu.memory_space<vmem>> -> memref<128x32xf32, #tpu.memory_space<vmem>>
    %dma_start3A_7 = arith.constant 0 : i32
    %dma_start3A_8 = tpu.memref_slice %arg6[%dma_start3A_7] : memref<25600xi32, #tpu.memory_space<vmem>> -> memref<128xi32, #tpu.memory_space<vmem>>
    %dma_start3A_9 = arith.constant 0 : i32
    %dma_start3A_10 = arith.constant 0 : i32
    %dma_start3A_11 = tpu.memref_slice %arg3[%dma_start3A_9, %dma_start3A_10] : memref<1000000x32xf32, #tpu.memory_space<hbm>> -> memref<1000000x32xf32, #tpu.memory_space<hbm>>
    tpu.enqueue_indirect_dma source(%dma_start3A_11 : memref<1000000x32xf32, #tpu.memory_space<hbm>>) target(%dma_start3A_6 : memref<128x32xf32, #tpu.memory_space<vmem>>) offsets(%dma_start3A_8 : memref<128xi32, #tpu.memory_space<vmem>>) semaphore(%arg12 : memref<!tpu.dma_semaphore, #tpu.memory_space<semaphore_mem>>)
    %dma_start3A_12 = arith.constant 128 : i32
    %dma_start3A_13 = arith.constant 0 : i32
    %dma_start3A_14 = tpu.memref_slice %arg7[%dma_start3A_12, %dma_start3A_13] : memref<200x32xf32, #tpu.memory_space<vmem>> -> memref<72x32xf32, #tpu.memory_space<vmem>>
    %dma_start3A_15 = arith.constant 128 : i32
    %dma_start3A_16 = tpu.memref_slice %arg6[%dma_start3A_15] : memref<25600xi32, #tpu.memory_space<vmem>> -> memref<72xi32, #tpu.memory_space<vmem>>
    %dma_start3A_17 = arith.constant 0 : i32
    %dma_start3A_18 = arith.constant 0 : i32
    %dma_start3A_19 = tpu.memref_slice %arg3[%dma_start3A_17, %dma_start3A_18] : memref<1000000x32xf32, #tpu.memory_space<hbm>> -> memref<1000000x32xf32, #tpu.memory_space<hbm>>
    tpu.enqueue_indirect_dma source(%dma_start3A_19 : memref<1000000x32xf32, #tpu.memory_space<hbm>>) target(%dma_start3A_14 : memref<72x32xf32, #tpu.memory_space<vmem>>) offsets(%dma_start3A_16 : memref<72xi32, #tpu.memory_space<vmem>>) semaphore(%arg12 : memref<!tpu.dma_semaphore, #tpu.memory_space<semaphore_mem>>)
    %scan3A = arith.constant 0 : i32
    %scan3A_20 = arith.constant 0 : i32
    %scan3A_21 = arith.constant 8 : i32
    %scan3A_22 = arith.addi %scan3A_20, %scan3A_21 : i32
    %scan3A_23 = arith.constant 1 : i32
    scf.for %scan3A_27 = %scan3A_20 to %scan3A_22 step %scan3A_23  : i32 {
      %scan3A_28 = arith.constant 0 : i32
      %scan3A_29 = arith.constant 0 : i32
      %scan3A_30 = arith.constant 8 : i32
      %scan3A_31 = arith.addi %scan3A_29, %scan3A_30 : i32
      %scan3A_32 = arith.constant 1 : i32
      scf.for %scan3A_100 = %scan3A_29 to %scan3A_31 step %scan3A_32  : i32 {
        %mul3A_101 = arith.constant 16 : i32
        %mul3A_102 = arith.muli %scan3A_27, %mul3A_101 : i32
        %mul3A_103 = arith.constant 2 : i32
        %mul3A_104 = arith.muli %scan3A_100, %mul3A_103 : i32
        %add3A_105 = arith.addi %mul3A_102, %mul3A_104 : i32
        %add3A_106 = arith.constant 1 : i32
        %add3A_107 = arith.addi %add3A_105, %add3A_106 : i32
        %mul3A_108 = arith.constant 200 : i32
        %mul3A_109 = arith.muli %add3A_107, %mul3A_108 : i32
        %dma_start3A_110 = arith.constant 0 : i32
        %dma_start3A_111 = arith.constant 0 : i32
        %dma_start3A_112 = tpu.memref_slice %arg8[%dma_start3A_110, %dma_start3A_111] : memref<200x32xf32, #tpu.memory_space<vmem>> -> memref<128x32xf32, #tpu.memory_space<vmem>>
        %dma_start3A_113 = tpu.memref_slice %arg6[%mul3A_109] : memref<25600xi32, #tpu.memory_space<vmem>> -> memref<128xi32, #tpu.memory_space<vmem>>
        %dma_start3A_114 = arith.constant 0 : i32
        %dma_start3A_115 = arith.constant 0 : i32
        %dma_start3A_116 = tpu.memref_slice %arg3[%dma_start3A_114, %dma_start3A_115] : memref<1000000x32xf32, #tpu.memory_space<hbm>> -> memref<1000000x32xf32, #tpu.memory_space<hbm>>
        tpu.enqueue_indirect_dma source(%dma_start3A_116 : memref<1000000x32xf32, #tpu.memory_space<hbm>>) target(%dma_start3A_112 : memref<128x32xf32, #tpu.memory_space<vmem>>) offsets(%dma_start3A_113 : memref<128xi32, #tpu.memory_space<vmem>>) semaphore(%arg13 : memref<!tpu.dma_semaphore, #tpu.memory_space<semaphore_mem>>)
        %add3A_117 = arith.constant 128 : i32
        %add3A_118 = arith.addi %mul3A_109, %add3A_117 : i32
        %dma_start3A_119 = arith.constant 128 : i32
        %dma_start3A_120 = arith.constant 0 : i32
        %dma_start3A_121 = tpu.memref_slice %arg8[%dma_start3A_119, %dma_start3A_120] : memref<200x32xf32, #tpu.memory_space<vmem>> -> memref<72x32xf32, #tpu.memory_space<vmem>>
        %dma_start3A_122 = tpu.memref_slice %arg6[%add3A_118] : memref<25600xi32, #tpu.memory_space<vmem>> -> memref<72xi32, #tpu.memory_space<vmem>>
        %dma_start3A_123 = arith.constant 0 : i32
        %dma_start3A_124 = arith.constant 0 : i32
        %dma_start3A_125 = tpu.memref_slice %arg3[%dma_start3A_123, %dma_start3A_124] : memref<1000000x32xf32, #tpu.memory_space<hbm>> -> memref<1000000x32xf32, #tpu.memory_space<hbm>>
        tpu.enqueue_indirect_dma source(%dma_start3A_125 : memref<1000000x32xf32, #tpu.memory_space<hbm>>) target(%dma_start3A_121 : memref<72x32xf32, #tpu.memory_space<vmem>>) offsets(%dma_start3A_122 : memref<72xi32, #tpu.memory_space<vmem>>) semaphore(%arg13 : memref<!tpu.dma_semaphore, #tpu.memory_space<semaphore_mem>>)
        %dma_wait3A = arith.constant 0 : i32
        %dma_wait3A_126 = arith.constant 0 : i32
        %dma_wait3A_127 = tpu.memref_slice %arg7[%dma_wait3A, %dma_wait3A_126] : memref<200x32xf32, #tpu.memory_space<vmem>> -> memref<128x32xf32, #tpu.memory_space<vmem>>
        %dma_wait3A_128 = arith.constant 0 : i32
        %dma_wait3A_129 = tpu.memref_slice %arg6[%dma_wait3A_128] : memref<25600xi32, #tpu.memory_space<vmem>> -> memref<128xi32, #tpu.memory_space<vmem>>
        %dma_wait3A_130 = arith.constant 0 : i32
        %dma_wait3A_131 = arith.constant 0 : i32
        %dma_wait3A_132 = tpu.memref_slice %arg3[%dma_wait3A_130, %dma_wait3A_131] : memref<1000000x32xf32, #tpu.memory_space<hbm>> -> memref<1000000x32xf32, #tpu.memory_space<hbm>>
        tpu.wait_indirect_dma semaphore(%arg12 : memref<!tpu.dma_semaphore, #tpu.memory_space<semaphore_mem>>) src(%dma_wait3A_132 : memref<1000000x32xf32, #tpu.memory_space<hbm>>) dst(%dma_wait3A_127 : memref<128x32xf32, #tpu.memory_space<vmem>>)
        %dma_wait3A_133 = arith.constant 128 : i32
        %dma_wait3A_134 = arith.constant 0 : i32
        %dma_wait3A_135 = tpu.memref_slice %arg7[%dma_wait3A_133, %dma_wait3A_134] : memref<200x32xf32, #tpu.memory_space<vmem>> -> memref<72x32xf32, #tpu.memory_space<vmem>>
        %dma_wait3A_136 = arith.constant 0 : i32
        %dma_wait3A_137 = tpu.memref_slice %arg6[%dma_wait3A_136] : memref<25600xi32, #tpu.memory_space<vmem>> -> memref<72xi32, #tpu.memory_space<vmem>>
        %dma_wait3A_138 = arith.constant 0 : i32
        %dma_wait3A_139 = arith.constant 0 : i32
        %dma_wait3A_140 = tpu.memref_slice %arg3[%dma_wait3A_138, %dma_wait3A_139] : memref<1000000x32xf32, #tpu.memory_space<hbm>> -> memref<1000000x32xf32, #tpu.memory_space<hbm>>
        tpu.wait_indirect_dma semaphore(%arg12 : memref<!tpu.dma_semaphore, #tpu.memory_space<semaphore_mem>>) src(%dma_wait3A_140 : memref<1000000x32xf32, #tpu.memory_space<hbm>>) dst(%dma_wait3A_135 : memref<72x32xf32, #tpu.memory_space<vmem>>)
        %scan3A_141 = arith.constant 0 : i32
        %scan3A_142 = arith.constant 25 : i32
        %scan3A_143 = arith.addi %scan3A_141, %scan3A_142 : i32
        %scan3A_144 = arith.constant 1 : i32
        %scan3A_145:4 = scf.for %scan3A_195 = %scan3A_141 to %scan3A_143 step %scan3A_144 iter_args(%scan3A_196 = %broadcast_in_dim3A_4, %scan3A_197 = %broadcast_in_dim3A_4, %scan3A_198 = %broadcast_in_dim3A_4, %scan3A_199 = %broadcast_in_dim3A_4) -> (vector<16xf32>, vector<16xf32>, vector<16xf32>, vector<16xf32>)  : i32 {
          %mul3A_200 = arith.constant 8 : i32
          %mul3A_201 = arith.muli %scan3A_195, %mul3A_200 : i32
          %add3A_202 = arith.constant 0 : i32
          %add3A_203 = arith.addi %mul3A_201, %add3A_202 : i32
          %get3A_204 = arith.index_cast %add3A_203 : i32 to index
          %get3A_205 = arith.constant 0 : index
          %get3A_206 = tpu.vector_load %arg7[%get3A_204, %get3A_205] {strides = array<i32>} : memref<200x32xf32, #tpu.memory_space<vmem>>, vector<16xf32>,
          %add3A_207 = arith.addf %scan3A_196, %get3A_206 : vector<16xf32>
          %add3A_208 = arith.constant 0 : i32
          %add3A_209 = arith.addi %mul3A_201, %add3A_208 : i32
          %get3A_210 = arith.index_cast %add3A_209 : i32 to index
          %get3A_211 = arith.constant 16 : index
          %get3A_212 = tpu.vector_load %arg7[%get3A_210, %get3A_211] {strides = array<i32>} : memref<200x32xf32, #tpu.memory_space<vmem>>, vector<16xf32>,
          %add3A_213 = arith.addf %scan3A_197, %get3A_212 : vector<16xf32>
          %add3A_214 = arith.constant 0 : i32
          %add3A_215 = arith.addi %mul3A_201, %add3A_214 : i32
          %add3A_216 = arith.constant 1 : i32
          %add3A_217 = arith.addi %add3A_215, %add3A_216 : i32
          %get3A_218 = arith.index_cast %add3A_217 : i32 to index
          %get3A_219 = arith.constant 0 : index
          %get3A_220 = tpu.vector_load %arg7[%get3A_218, %get3A_219] {strides = array<i32>} : memref<200x32xf32, #tpu.memory_space<vmem>>, vector<16xf32>,
          %add3A_221 = arith.addf %scan3A_198, %get3A_220 : vector<16xf32>
          %add3A_222 = arith.constant 0 : i32
          %add3A_223 = arith.addi %mul3A_201, %add3A_222 : i32
          %add3A_224 = arith.constant 1 : i32
          %add3A_225 = arith.addi %add3A_223, %add3A_224 : i32
          %get3A_226 = arith.index_cast %add3A_225 : i32 to index
          %get3A_227 = arith.constant 16 : index
          %get3A_228 = tpu.vector_load %arg7[%get3A_226, %get3A_227] {strides = array<i32>} : memref<200x32xf32, #tpu.memory_space<vmem>>, vector<16xf32>,
          %add3A_229 = arith.addf %scan3A_199, %get3A_228 : vector<16xf32>
          %add3A_230 = arith.constant 2 : i32
          %add3A_231 = arith.addi %mul3A_201, %add3A_230 : i32
          %get3A_232 = arith.index_cast %add3A_231 : i32 to index
          %get3A_233 = arith.constant 0 : index
          %get3A_234 = tpu.vector_load %arg7[%get3A_232, %get3A_233] {strides = array<i32>} : memref<200x32xf32, #tpu.memory_space<vmem>>, vector<16xf32>,
          %add3A_235 = arith.addf %add3A_207, %get3A_234 : vector<16xf32>
          %add3A_236 = arith.constant 2 : i32
          %add3A_237 = arith.addi %mul3A_201, %add3A_236 : i32
          %get3A_238 = arith.index_cast %add3A_237 : i32 to index
          %get3A_239 = arith.constant 16 : index
          %get3A_240 = tpu.vector_load %arg7[%get3A_238, %get3A_239] {strides = array<i32>} : memref<200x32xf32, #tpu.memory_space<vmem>>, vector<16xf32>,
          %add3A_241 = arith.addf %add3A_213, %get3A_240 : vector<16xf32>
          %add3A_242 = arith.constant 2 : i32
          %add3A_243 = arith.addi %mul3A_201, %add3A_242 : i32
          %add3A_244 = arith.constant 1 : i32
          %add3A_245 = arith.addi %add3A_243, %add3A_244 : i32
          %get3A_246 = arith.index_cast %add3A_245 : i32 to index
          %get3A_247 = arith.constant 0 : index
          %get3A_248 = tpu.vector_load %arg7[%get3A_246, %get3A_247] {strides = array<i32>} : memref<200x32xf32, #tpu.memory_space<vmem>>, vector<16xf32>,
          %add3A_249 = arith.addf %add3A_221, %get3A_248 : vector<16xf32>
          %add3A_250 = arith.constant 2 : i32
          %add3A_251 = arith.addi %mul3A_201, %add3A_250 : i32
          %add3A_252 = arith.constant 1 : i32
          %add3A_253 = arith.addi %add3A_251, %add3A_252 : i32
          %get3A_254 = arith.index_cast %add3A_253 : i32 to index
          %get3A_255 = arith.constant 16 : index
          %get3A_256 = tpu.vector_load %arg7[%get3A_254, %get3A_255] {strides = array<i32>} : memref<200x32xf32, #tpu.memory_space<vmem>>, vector<16xf32>,
          %add3A_257 = arith.addf %add3A_229, %get3A_256 : vector<16xf32>
          %add3A_258 = arith.constant 4 : i32
          %add3A_259 = arith.addi %mul3A_201, %add3A_258 : i32
          %get3A_260 = arith.index_cast %add3A_259 : i32 to index
          %get3A_261 = arith.constant 0 : index
          %get3A_262 = tpu.vector_load %arg7[%get3A_260, %get3A_261] {strides = array<i32>} : memref<200x32xf32, #tpu.memory_space<vmem>>, vector<16xf32>,
          %add3A_263 = arith.addf %add3A_235, %get3A_262 : vector<16xf32>
          %add3A_264 = arith.constant 4 : i32
          %add3A_265 = arith.addi %mul3A_201, %add3A_264 : i32
          %get3A_266 = arith.index_cast %add3A_265 : i32 to index
          %get3A_267 = arith.constant 16 : index
          %get3A_268 = tpu.vector_load %arg7[%get3A_266, %get3A_267] {strides = array<i32>} : memref<200x32xf32, #tpu.memory_space<vmem>>, vector<16xf32>,
          %add3A_269 = arith.addf %add3A_241, %get3A_268 : vector<16xf32>
          %add3A_270 = arith.constant 4 : i32
          %add3A_271 = arith.addi %mul3A_201, %add3A_270 : i32
          %add3A_272 = arith.constant 1 : i32
          %add3A_273 = arith.addi %add3A_271, %add3A_272 : i32
          %get3A_274 = arith.index_cast %add3A_273 : i32 to index
          %get3A_275 = arith.constant 0 : index
          %get3A_276 = tpu.vector_load %arg7[%get3A_274, %get3A_275] {strides = array<i32>} : memref<200x32xf32, #tpu.memory_space<vmem>>, vector<16xf32>,
          %add3A_277 = arith.addf %add3A_249, %get3A_276 : vector<16xf32>
          %add3A_278 = arith.constant 4 : i32
          %add3A_279 = arith.addi %mul3A_201, %add3A_278 : i32
          %add3A_280 = arith.constant 1 : i32
          %add3A_281 = arith.addi %add3A_279, %add3A_280 : i32
          %get3A_282 = arith.index_cast %add3A_281 : i32 to index
          %get3A_283 = arith.constant 16 : index
          %get3A_284 = tpu.vector_load %arg7[%get3A_282, %get3A_283] {strides = array<i32>} : memref<200x32xf32, #tpu.memory_space<vmem>>, vector<16xf32>,
          %add3A_285 = arith.addf %add3A_257, %get3A_284 : vector<16xf32>
          %add3A_286 = arith.constant 6 : i32
          %add3A_287 = arith.addi %mul3A_201, %add3A_286 : i32
          %get3A_288 = arith.index_cast %add3A_287 : i32 to index
          %get3A_289 = arith.constant 0 : index
          %get3A_290 = tpu.vector_load %arg7[%get3A_288, %get3A_289] {strides = array<i32>} : memref<200x32xf32, #tpu.memory_space<vmem>>, vector<16xf32>,
          %add3A_291 = arith.addf %add3A_263, %get3A_290 : vector<16xf32>
          %add3A_292 = arith.constant 6 : i32
          %add3A_293 = arith.addi %mul3A_201, %add3A_292 : i32
          %get3A_294 = arith.index_cast %add3A_293 : i32 to index
          %get3A_295 = arith.constant 16 : index
          %get3A_296 = tpu.vector_load %arg7[%get3A_294, %get3A_295] {strides = array<i32>} : memref<200x32xf32, #tpu.memory_space<vmem>>, vector<16xf32>,
          %add3A_297 = arith.addf %add3A_269, %get3A_296 : vector<16xf32>
          %add3A_298 = arith.constant 6 : i32
          %add3A_299 = arith.addi %mul3A_201, %add3A_298 : i32
          %add3A_300 = arith.constant 1 : i32
          %add3A_301 = arith.addi %add3A_299, %add3A_300 : i32
          %get3A_302 = arith.index_cast %add3A_301 : i32 to index
          %get3A_303 = arith.constant 0 : index
          %get3A_304 = tpu.vector_load %arg7[%get3A_302, %get3A_303] {strides = array<i32>} : memref<200x32xf32, #tpu.memory_space<vmem>>, vector<16xf32>,
          %add3A_305 = arith.addf %add3A_277, %get3A_304 : vector<16xf32>
          %add3A_306 = arith.constant 6 : i32
          %add3A_307 = arith.addi %mul3A_201, %add3A_306 : i32
          %add3A_308 = arith.constant 1 : i32
          %add3A_309 = arith.addi %add3A_307, %add3A_308 : i32
          %get3A_310 = arith.index_cast %add3A_309 : i32 to index
          %get3A_311 = arith.constant 16 : index
          %get3A_312 = tpu.vector_load %arg7[%get3A_310, %get3A_311] {strides = array<i32>} : memref<200x32xf32, #tpu.memory_space<vmem>>, vector<16xf32>,
          %add3A_313 = arith.addf %add3A_285, %get3A_312 : vector<16xf32>
          scf.yield %add3A_291, %add3A_297, %add3A_305, %add3A_313 : vector<16xf32>, vector<16xf32>, vector<16xf32>, vector<16xf32>
        }
        %scan3A_146 = arith.constant 25 : i32
        %add3A_147 = arith.addf %scan3A_145#0, %scan3A_145#2 : vector<16xf32>
        %mul3A_148 = arith.mulf %add3A_147, %get3A_1 : vector<16xf32>
        %add3A_149 = arith.addf %scan3A_145#1, %scan3A_145#3 : vector<16xf32>
        %mul3A_150 = arith.mulf %add3A_149, %get3A_3 : vector<16xf32>
        %add3A_151 = arith.addf %mul3A_148, %mul3A_150 : vector<16xf32>
        %mul3A_152 = arith.constant 2 : i32
        %mul3A_153 = arith.muli %scan3A_100, %mul3A_152 : i32
        %swap3A_154 = arith.index_cast %mul3A_153 : i32 to index
        %swap3A_155 = arith.constant 0 : index
        %swap3A_156 = tpu.vector_load %arg10[%swap3A_154, %swap3A_155] {strides = array<i32>} : memref<16x16xf32, #tpu.memory_space<vmem>>, vector<16xf32>,
        tpu.vector_store %arg10[%swap3A_154, %swap3A_155], %add3A_151 {strides = array<i32>} : memref<16x16xf32, #tpu.memory_space<vmem>>, vector<16xf32>,
        %add3A_157 = arith.constant 2 : i32
        %add3A_158 = arith.addi %add3A_105, %add3A_157 : i32
        %lt3A = arith.constant 128 : i32
        %lt3A_159 = arith.cmpi slt, %add3A_158, %lt3A : i32
        %convert_element_type3A = arith.extui %lt3A_159 : i1 to i32
        %cond3A = arith.constant 0 : i32
        %cond3A_160 = arith.cmpi ne, %convert_element_type3A, %cond3A : i32
        scf.if %cond3A_160 {
          %add3A_195 = arith.constant 2 : i32
          %add3A_196 = arith.addi %add3A_105, %add3A_195 : i32
          %mul3A_197 = arith.constant 200 : i32
          %mul3A_198 = arith.muli %add3A_196, %mul3A_197 : i32
          %dma_start3A_199 = arith.constant 0 : i32
          %dma_start3A_200 = arith.constant 0 : i32
          %dma_start3A_201 = tpu.memref_slice %arg7[%dma_start3A_199, %dma_start3A_200] : memref<200x32xf32, #tpu.memory_space<vmem>> -> memref<128x32xf32, #tpu.memory_space<vmem>>
          %dma_start3A_202 = tpu.memref_slice %arg6[%mul3A_198] : memref<25600xi32, #tpu.memory_space<vmem>> -> memref<128xi32, #tpu.memory_space<vmem>>
          %dma_start3A_203 = arith.constant 0 : i32
          %dma_start3A_204 = arith.constant 0 : i32
          %dma_start3A_205 = tpu.memref_slice %arg3[%dma_start3A_203, %dma_start3A_204] : memref<1000000x32xf32, #tpu.memory_space<hbm>> -> memref<1000000x32xf32, #tpu.memory_space<hbm>>
          tpu.enqueue_indirect_dma source(%dma_start3A_205 : memref<1000000x32xf32, #tpu.memory_space<hbm>>) target(%dma_start3A_201 : memref<128x32xf32, #tpu.memory_space<vmem>>) offsets(%dma_start3A_202 : memref<128xi32, #tpu.memory_space<vmem>>) semaphore(%arg12 : memref<!tpu.dma_semaphore, #tpu.memory_space<semaphore_mem>>)
          %add3A_206 = arith.constant 128 : i32
          %add3A_207 = arith.addi %mul3A_198, %add3A_206 : i32
          %dma_start3A_208 = arith.constant 128 : i32
          %dma_start3A_209 = arith.constant 0 : i32
          %dma_start3A_210 = tpu.memref_slice %arg7[%dma_start3A_208, %dma_start3A_209] : memref<200x32xf32, #tpu.memory_space<vmem>> -> memref<72x32xf32, #tpu.memory_space<vmem>>
          %dma_start3A_211 = tpu.memref_slice %arg6[%add3A_207] : memref<25600xi32, #tpu.memory_space<vmem>> -> memref<72xi32, #tpu.memory_space<vmem>>
          %dma_start3A_212 = arith.constant 0 : i32
          %dma_start3A_213 = arith.constant 0 : i32
          %dma_start3A_214 = tpu.memref_slice %arg3[%dma_start3A_212, %dma_start3A_213] : memref<1000000x32xf32, #tpu.memory_space<hbm>> -> memref<1000000x32xf32, #tpu.memory_space<hbm>>
          tpu.enqueue_indirect_dma source(%dma_start3A_214 : memref<1000000x32xf32, #tpu.memory_space<hbm>>) target(%dma_start3A_210 : memref<72x32xf32, #tpu.memory_space<vmem>>) offsets(%dma_start3A_211 : memref<72xi32, #tpu.memory_space<vmem>>) semaphore(%arg12 : memref<!tpu.dma_semaphore, #tpu.memory_space<semaphore_mem>>)
        } else {
        }
        %dma_wait3A_161 = arith.constant 0 : i32
        %dma_wait3A_162 = arith.constant 0 : i32
        %dma_wait3A_163 = tpu.memref_slice %arg8[%dma_wait3A_161, %dma_wait3A_162] : memref<200x32xf32, #tpu.memory_space<vmem>> -> memref<128x32xf32, #tpu.memory_space<vmem>>
        %dma_wait3A_164 = arith.constant 0 : i32
        %dma_wait3A_165 = tpu.memref_slice %arg6[%dma_wait3A_164] : memref<25600xi32, #tpu.memory_space<vmem>> -> memref<128xi32, #tpu.memory_space<vmem>>
        %dma_wait3A_166 = arith.constant 0 : i32
        %dma_wait3A_167 = arith.constant 0 : i32
        %dma_wait3A_168 = tpu.memref_slice %arg3[%dma_wait3A_166, %dma_wait3A_167] : memref<1000000x32xf32, #tpu.memory_space<hbm>> -> memref<1000000x32xf32, #tpu.memory_space<hbm>>
        tpu.wait_indirect_dma semaphore(%arg13 : memref<!tpu.dma_semaphore, #tpu.memory_space<semaphore_mem>>) src(%dma_wait3A_168 : memref<1000000x32xf32, #tpu.memory_space<hbm>>) dst(%dma_wait3A_163 : memref<128x32xf32, #tpu.memory_space<vmem>>)
        %dma_wait3A_169 = arith.constant 128 : i32
        %dma_wait3A_170 = arith.constant 0 : i32
        %dma_wait3A_171 = tpu.memref_slice %arg8[%dma_wait3A_169, %dma_wait3A_170] : memref<200x32xf32, #tpu.memory_space<vmem>> -> memref<72x32xf32, #tpu.memory_space<vmem>>
        %dma_wait3A_172 = arith.constant 0 : i32
        %dma_wait3A_173 = tpu.memref_slice %arg6[%dma_wait3A_172] : memref<25600xi32, #tpu.memory_space<vmem>> -> memref<72xi32, #tpu.memory_space<vmem>>
        %dma_wait3A_174 = arith.constant 0 : i32
        %dma_wait3A_175 = arith.constant 0 : i32
        %dma_wait3A_176 = tpu.memref_slice %arg3[%dma_wait3A_174, %dma_wait3A_175] : memref<1000000x32xf32, #tpu.memory_space<hbm>> -> memref<1000000x32xf32, #tpu.memory_space<hbm>>
        tpu.wait_indirect_dma semaphore(%arg13 : memref<!tpu.dma_semaphore, #tpu.memory_space<semaphore_mem>>) src(%dma_wait3A_176 : memref<1000000x32xf32, #tpu.memory_space<hbm>>) dst(%dma_wait3A_171 : memref<72x32xf32, #tpu.memory_space<vmem>>)
        %scan3A_177 = arith.constant 0 : i32
        %scan3A_178 = arith.constant 25 : i32
        %scan3A_179 = arith.addi %scan3A_177, %scan3A_178 : i32
        %scan3A_180 = arith.constant 1 : i32
        %scan3A_181:4 = scf.for %scan3A_195 = %scan3A_177 to %scan3A_179 step %scan3A_180 iter_args(%scan3A_196 = %broadcast_in_dim3A_4, %scan3A_197 = %broadcast_in_dim3A_4, %scan3A_198 = %broadcast_in_dim3A_4, %scan3A_199 = %broadcast_in_dim3A_4) -> (vector<16xf32>, vector<16xf32>, vector<16xf32>, vector<16xf32>)  : i32 {
          %mul3A_200 = arith.constant 8 : i32
          %mul3A_201 = arith.muli %scan3A_195, %mul3A_200 : i32
          %add3A_202 = arith.constant 0 : i32
          %add3A_203 = arith.addi %mul3A_201, %add3A_202 : i32
          %get3A_204 = arith.index_cast %add3A_203 : i32 to index
          %get3A_205 = arith.constant 0 : index
          %get3A_206 = tpu.vector_load %arg8[%get3A_204, %get3A_205] {strides = array<i32>} : memref<200x32xf32, #tpu.memory_space<vmem>>, vector<16xf32>,
          %add3A_207 = arith.addf %scan3A_196, %get3A_206 : vector<16xf32>
          %add3A_208 = arith.constant 0 : i32
          %add3A_209 = arith.addi %mul3A_201, %add3A_208 : i32
          %get3A_210 = arith.index_cast %add3A_209 : i32 to index
          %get3A_211 = arith.constant 16 : index
          %get3A_212 = tpu.vector_load %arg8[%get3A_210, %get3A_211] {strides = array<i32>} : memref<200x32xf32, #tpu.memory_space<vmem>>, vector<16xf32>,
          %add3A_213 = arith.addf %scan3A_197, %get3A_212 : vector<16xf32>
          %add3A_214 = arith.constant 0 : i32
          %add3A_215 = arith.addi %mul3A_201, %add3A_214 : i32
          %add3A_216 = arith.constant 1 : i32
          %add3A_217 = arith.addi %add3A_215, %add3A_216 : i32
          %get3A_218 = arith.index_cast %add3A_217 : i32 to index
          %get3A_219 = arith.constant 0 : index
          %get3A_220 = tpu.vector_load %arg8[%get3A_218, %get3A_219] {strides = array<i32>} : memref<200x32xf32, #tpu.memory_space<vmem>>, vector<16xf32>,
          %add3A_221 = arith.addf %scan3A_198, %get3A_220 : vector<16xf32>
          %add3A_222 = arith.constant 0 : i32
          %add3A_223 = arith.addi %mul3A_201, %add3A_222 : i32
          %add3A_224 = arith.constant 1 : i32
          %add3A_225 = arith.addi %add3A_223, %add3A_224 : i32
          %get3A_226 = arith.index_cast %add3A_225 : i32 to index
          %get3A_227 = arith.constant 16 : index
          %get3A_228 = tpu.vector_load %arg8[%get3A_226, %get3A_227] {strides = array<i32>} : memref<200x32xf32, #tpu.memory_space<vmem>>, vector<16xf32>,
          %add3A_229 = arith.addf %scan3A_199, %get3A_228 : vector<16xf32>
          %add3A_230 = arith.constant 2 : i32
          %add3A_231 = arith.addi %mul3A_201, %add3A_230 : i32
          %get3A_232 = arith.index_cast %add3A_231 : i32 to index
          %get3A_233 = arith.constant 0 : index
          %get3A_234 = tpu.vector_load %arg8[%get3A_232, %get3A_233] {strides = array<i32>} : memref<200x32xf32, #tpu.memory_space<vmem>>, vector<16xf32>,
          %add3A_235 = arith.addf %add3A_207, %get3A_234 : vector<16xf32>
          %add3A_236 = arith.constant 2 : i32
          %add3A_237 = arith.addi %mul3A_201, %add3A_236 : i32
          %get3A_238 = arith.index_cast %add3A_237 : i32 to index
          %get3A_239 = arith.constant 16 : index
          %get3A_240 = tpu.vector_load %arg8[%get3A_238, %get3A_239] {strides = array<i32>} : memref<200x32xf32, #tpu.memory_space<vmem>>, vector<16xf32>,
          %add3A_241 = arith.addf %add3A_213, %get3A_240 : vector<16xf32>
          %add3A_242 = arith.constant 2 : i32
          %add3A_243 = arith.addi %mul3A_201, %add3A_242 : i32
          %add3A_244 = arith.constant 1 : i32
          %add3A_245 = arith.addi %add3A_243, %add3A_244 : i32
          %get3A_246 = arith.index_cast %add3A_245 : i32 to index
          %get3A_247 = arith.constant 0 : index
          %get3A_248 = tpu.vector_load %arg8[%get3A_246, %get3A_247] {strides = array<i32>} : memref<200x32xf32, #tpu.memory_space<vmem>>, vector<16xf32>,
          %add3A_249 = arith.addf %add3A_221, %get3A_248 : vector<16xf32>
          %add3A_250 = arith.constant 2 : i32
          %add3A_251 = arith.addi %mul3A_201, %add3A_250 : i32
          %add3A_252 = arith.constant 1 : i32
          %add3A_253 = arith.addi %add3A_251, %add3A_252 : i32
          %get3A_254 = arith.index_cast %add3A_253 : i32 to index
          %get3A_255 = arith.constant 16 : index
          %get3A_256 = tpu.vector_load %arg8[%get3A_254, %get3A_255] {strides = array<i32>} : memref<200x32xf32, #tpu.memory_space<vmem>>, vector<16xf32>,
          %add3A_257 = arith.addf %add3A_229, %get3A_256 : vector<16xf32>
          %add3A_258 = arith.constant 4 : i32
          %add3A_259 = arith.addi %mul3A_201, %add3A_258 : i32
          %get3A_260 = arith.index_cast %add3A_259 : i32 to index
          %get3A_261 = arith.constant 0 : index
          %get3A_262 = tpu.vector_load %arg8[%get3A_260, %get3A_261] {strides = array<i32>} : memref<200x32xf32, #tpu.memory_space<vmem>>, vector<16xf32>,
          %add3A_263 = arith.addf %add3A_235, %get3A_262 : vector<16xf32>
          %add3A_264 = arith.constant 4 : i32
          %add3A_265 = arith.addi %mul3A_201, %add3A_264 : i32
          %get3A_266 = arith.index_cast %add3A_265 : i32 to index
          %get3A_267 = arith.constant 16 : index
          %get3A_268 = tpu.vector_load %arg8[%get3A_266, %get3A_267] {strides = array<i32>} : memref<200x32xf32, #tpu.memory_space<vmem>>, vector<16xf32>,
          %add3A_269 = arith.addf %add3A_241, %get3A_268 : vector<16xf32>
          %add3A_270 = arith.constant 4 : i32
          %add3A_271 = arith.addi %mul3A_201, %add3A_270 : i32
          %add3A_272 = arith.constant 1 : i32
          %add3A_273 = arith.addi %add3A_271, %add3A_272 : i32
          %get3A_274 = arith.index_cast %add3A_273 : i32 to index
          %get3A_275 = arith.constant 0 : index
          %get3A_276 = tpu.vector_load %arg8[%get3A_274, %get3A_275] {strides = array<i32>} : memref<200x32xf32, #tpu.memory_space<vmem>>, vector<16xf32>,
          %add3A_277 = arith.addf %add3A_249, %get3A_276 : vector<16xf32>
          %add3A_278 = arith.constant 4 : i32
          %add3A_279 = arith.addi %mul3A_201, %add3A_278 : i32
          %add3A_280 = arith.constant 1 : i32
          %add3A_281 = arith.addi %add3A_279, %add3A_280 : i32
          %get3A_282 = arith.index_cast %add3A_281 : i32 to index
          %get3A_283 = arith.constant 16 : index
          %get3A_284 = tpu.vector_load %arg8[%get3A_282, %get3A_283] {strides = array<i32>} : memref<200x32xf32, #tpu.memory_space<vmem>>, vector<16xf32>,
          %add3A_285 = arith.addf %add3A_257, %get3A_284 : vector<16xf32>
          %add3A_286 = arith.constant 6 : i32
          %add3A_287 = arith.addi %mul3A_201, %add3A_286 : i32
          %get3A_288 = arith.index_cast %add3A_287 : i32 to index
          %get3A_289 = arith.constant 0 : index
          %get3A_290 = tpu.vector_load %arg8[%get3A_288, %get3A_289] {strides = array<i32>} : memref<200x32xf32, #tpu.memory_space<vmem>>, vector<16xf32>,
          %add3A_291 = arith.addf %add3A_263, %get3A_290 : vector<16xf32>
          %add3A_292 = arith.constant 6 : i32
          %add3A_293 = arith.addi %mul3A_201, %add3A_292 : i32
          %get3A_294 = arith.index_cast %add3A_293 : i32 to index
          %get3A_295 = arith.constant 16 : index
          %get3A_296 = tpu.vector_load %arg8[%get3A_294, %get3A_295] {strides = array<i32>} : memref<200x32xf32, #tpu.memory_space<vmem>>, vector<16xf32>,
          %add3A_297 = arith.addf %add3A_269, %get3A_296 : vector<16xf32>
          %add3A_298 = arith.constant 6 : i32
          %add3A_299 = arith.addi %mul3A_201, %add3A_298 : i32
          %add3A_300 = arith.constant 1 : i32
          %add3A_301 = arith.addi %add3A_299, %add3A_300 : i32
          %get3A_302 = arith.index_cast %add3A_301 : i32 to index
          %get3A_303 = arith.constant 0 : index
          %get3A_304 = tpu.vector_load %arg8[%get3A_302, %get3A_303] {strides = array<i32>} : memref<200x32xf32, #tpu.memory_space<vmem>>, vector<16xf32>,
          %add3A_305 = arith.addf %add3A_277, %get3A_304 : vector<16xf32>
          %add3A_306 = arith.constant 6 : i32
          %add3A_307 = arith.addi %mul3A_201, %add3A_306 : i32
          %add3A_308 = arith.constant 1 : i32
          %add3A_309 = arith.addi %add3A_307, %add3A_308 : i32
          %get3A_310 = arith.index_cast %add3A_309 : i32 to index
          %get3A_311 = arith.constant 16 : index
          %get3A_312 = tpu.vector_load %arg8[%get3A_310, %get3A_311] {strides = array<i32>} : memref<200x32xf32, #tpu.memory_space<vmem>>, vector<16xf32>,
          %add3A_313 = arith.addf %add3A_285, %get3A_312 : vector<16xf32>
          scf.yield %add3A_291, %add3A_297, %add3A_305, %add3A_313 : vector<16xf32>, vector<16xf32>, vector<16xf32>, vector<16xf32>
        }
        %scan3A_182 = arith.constant 25 : i32
        %add3A_183 = arith.addf %scan3A_181#0, %scan3A_181#2 : vector<16xf32>
        %mul3A_184 = arith.mulf %add3A_183, %get3A_1 : vector<16xf32>
        %add3A_185 = arith.addf %scan3A_181#1, %scan3A_181#3 : vector<16xf32>
        %mul3A_186 = arith.mulf %add3A_185, %get3A_3 : vector<16xf32>
        %add3A_187 = arith.addf %mul3A_184, %mul3A_186 : vector<16xf32>
        %mul3A_188 = arith.constant 2 : i32
        %mul3A_189 = arith.muli %scan3A_100, %mul3A_188 : i32
        %add3A_190 = arith.constant 1 : i32
        %add3A_191 = arith.addi %mul3A_189, %add3A_190 : i32
        %swap3A_192 = arith.index_cast %add3A_191 : i32 to index
        %swap3A_193 = arith.constant 0 : index
        %swap3A_194 = tpu.vector_load %arg10[%swap3A_192, %swap3A_193] {strides = array<i32>} : memref<16x16xf32, #tpu.memory_space<vmem>>, vector<16xf32>,
        tpu.vector_store %arg10[%swap3A_192, %swap3A_193], %add3A_187 {strides = array<i32>} : memref<16x16xf32, #tpu.memory_space<vmem>>, vector<16xf32>,
      }
      %scan3A_33 = arith.constant 8 : i32
      %broadcast_in_dim3A_34 = arith.constant 0 : i32
      %broadcast_in_dim3A_35 = vector.broadcast %broadcast_in_dim3A_34 : i32 to vector<16xi32>
      %gather3A = tpu.vector_load_idx %arg10[%iota3A, %broadcast_in_dim3A_35] : memref<16x16xf32, #tpu.memory_space<vmem>>[vector<16xi32>, vector<16xi32>], vector<16xf32>,
      %add3A_36 = arith.addf %broadcast_in_dim3A_4, %gather3A : vector<16xf32>
      %broadcast_in_dim3A_37 = arith.constant 1 : i32
      %broadcast_in_dim3A_38 = vector.broadcast %broadcast_in_dim3A_37 : i32 to vector<16xi32>
      %gather3A_39 = tpu.vector_load_idx %arg10[%iota3A, %broadcast_in_dim3A_38] : memref<16x16xf32, #tpu.memory_space<vmem>>[vector<16xi32>, vector<16xi32>], vector<16xf32>,
      %add3A_40 = arith.addf %add3A_36, %gather3A_39 : vector<16xf32>
      %broadcast_in_dim3A_41 = arith.constant 2 : i32
      %broadcast_in_dim3A_42 = vector.broadcast %broadcast_in_dim3A_41 : i32 to vector<16xi32>
      %gather3A_43 = tpu.vector_load_idx %arg10[%iota3A, %broadcast_in_dim3A_42] : memref<16x16xf32, #tpu.memory_space<vmem>>[vector<16xi32>, vector<16xi32>], vector<16xf32>,
      %add3A_44 = arith.addf %add3A_40, %gather3A_43 : vector<16xf32>
      %broadcast_in_dim3A_45 = arith.constant 3 : i32
      %broadcast_in_dim3A_46 = vector.broadcast %broadcast_in_dim3A_45 : i32 to vector<16xi32>
      %gather3A_47 = tpu.vector_load_idx %arg10[%iota3A, %broadcast_in_dim3A_46] : memref<16x16xf32, #tpu.memory_space<vmem>>[vector<16xi32>, vector<16xi32>], vector<16xf32>,
      %add3A_48 = arith.addf %add3A_44, %gather3A_47 : vector<16xf32>
      %broadcast_in_dim3A_49 = arith.constant 4 : i32
      %broadcast_in_dim3A_50 = vector.broadcast %broadcast_in_dim3A_49 : i32 to vector<16xi32>
      %gather3A_51 = tpu.vector_load_idx %arg10[%iota3A, %broadcast_in_dim3A_50] : memref<16x16xf32, #tpu.memory_space<vmem>>[vector<16xi32>, vector<16xi32>], vector<16xf32>,
      %add3A_52 = arith.addf %add3A_48, %gather3A_51 : vector<16xf32>
      %broadcast_in_dim3A_53 = arith.constant 5 : i32
      %broadcast_in_dim3A_54 = vector.broadcast %broadcast_in_dim3A_53 : i32 to vector<16xi32>
      %gather3A_55 = tpu.vector_load_idx %arg10[%iota3A, %broadcast_in_dim3A_54] : memref<16x16xf32, #tpu.memory_space<vmem>>[vector<16xi32>, vector<16xi32>], vector<16xf32>,
      %add3A_56 = arith.addf %add3A_52, %gather3A_55 : vector<16xf32>
      %broadcast_in_dim3A_57 = arith.constant 6 : i32
      %broadcast_in_dim3A_58 = vector.broadcast %broadcast_in_dim3A_57 : i32 to vector<16xi32>
      %gather3A_59 = tpu.vector_load_idx %arg10[%iota3A, %broadcast_in_dim3A_58] : memref<16x16xf32, #tpu.memory_space<vmem>>[vector<16xi32>, vector<16xi32>], vector<16xf32>,
      %add3A_60 = arith.addf %add3A_56, %gather3A_59 : vector<16xf32>
      %broadcast_in_dim3A_61 = arith.constant 7 : i32
      %broadcast_in_dim3A_62 = vector.broadcast %broadcast_in_dim3A_61 : i32 to vector<16xi32>
      %gather3A_63 = tpu.vector_load_idx %arg10[%iota3A, %broadcast_in_dim3A_62] : memref<16x16xf32, #tpu.memory_space<vmem>>[vector<16xi32>, vector<16xi32>], vector<16xf32>,
      %add3A_64 = arith.addf %add3A_60, %gather3A_63 : vector<16xf32>
      %broadcast_in_dim3A_65 = arith.constant 8 : i32
      %broadcast_in_dim3A_66 = vector.broadcast %broadcast_in_dim3A_65 : i32 to vector<16xi32>
      %gather3A_67 = tpu.vector_load_idx %arg10[%iota3A, %broadcast_in_dim3A_66] : memref<16x16xf32, #tpu.memory_space<vmem>>[vector<16xi32>, vector<16xi32>], vector<16xf32>,
      %add3A_68 = arith.addf %add3A_64, %gather3A_67 : vector<16xf32>
      %broadcast_in_dim3A_69 = arith.constant 9 : i32
      %broadcast_in_dim3A_70 = vector.broadcast %broadcast_in_dim3A_69 : i32 to vector<16xi32>
      %gather3A_71 = tpu.vector_load_idx %arg10[%iota3A, %broadcast_in_dim3A_70] : memref<16x16xf32, #tpu.memory_space<vmem>>[vector<16xi32>, vector<16xi32>], vector<16xf32>,
      %add3A_72 = arith.addf %add3A_68, %gather3A_71 : vector<16xf32>
      %broadcast_in_dim3A_73 = arith.constant 10 : i32
      %broadcast_in_dim3A_74 = vector.broadcast %broadcast_in_dim3A_73 : i32 to vector<16xi32>
      %gather3A_75 = tpu.vector_load_idx %arg10[%iota3A, %broadcast_in_dim3A_74] : memref<16x16xf32, #tpu.memory_space<vmem>>[vector<16xi32>, vector<16xi32>], vector<16xf32>,
      %add3A_76 = arith.addf %add3A_72, %gather3A_75 : vector<16xf32>
      %broadcast_in_dim3A_77 = arith.constant 11 : i32
      %broadcast_in_dim3A_78 = vector.broadcast %broadcast_in_dim3A_77 : i32 to vector<16xi32>
      %gather3A_79 = tpu.vector_load_idx %arg10[%iota3A, %broadcast_in_dim3A_78] : memref<16x16xf32, #tpu.memory_space<vmem>>[vector<16xi32>, vector<16xi32>], vector<16xf32>,
      %add3A_80 = arith.addf %add3A_76, %gather3A_79 : vector<16xf32>
      %broadcast_in_dim3A_81 = arith.constant 12 : i32
      %broadcast_in_dim3A_82 = vector.broadcast %broadcast_in_dim3A_81 : i32 to vector<16xi32>
      %gather3A_83 = tpu.vector_load_idx %arg10[%iota3A, %broadcast_in_dim3A_82] : memref<16x16xf32, #tpu.memory_space<vmem>>[vector<16xi32>, vector<16xi32>], vector<16xf32>,
      %add3A_84 = arith.addf %add3A_80, %gather3A_83 : vector<16xf32>
      %broadcast_in_dim3A_85 = arith.constant 13 : i32
      %broadcast_in_dim3A_86 = vector.broadcast %broadcast_in_dim3A_85 : i32 to vector<16xi32>
      %gather3A_87 = tpu.vector_load_idx %arg10[%iota3A, %broadcast_in_dim3A_86] : memref<16x16xf32, #tpu.memory_space<vmem>>[vector<16xi32>, vector<16xi32>], vector<16xf32>,
      %add3A_88 = arith.addf %add3A_84, %gather3A_87 : vector<16xf32>
      %broadcast_in_dim3A_89 = arith.constant 14 : i32
      %broadcast_in_dim3A_90 = vector.broadcast %broadcast_in_dim3A_89 : i32 to vector<16xi32>
      %gather3A_91 = tpu.vector_load_idx %arg10[%iota3A, %broadcast_in_dim3A_90] : memref<16x16xf32, #tpu.memory_space<vmem>>[vector<16xi32>, vector<16xi32>], vector<16xf32>,
      %add3A_92 = arith.addf %add3A_88, %gather3A_91 : vector<16xf32>
      %broadcast_in_dim3A_93 = arith.constant 15 : i32
      %broadcast_in_dim3A_94 = vector.broadcast %broadcast_in_dim3A_93 : i32 to vector<16xi32>
      %gather3A_95 = tpu.vector_load_idx %arg10[%iota3A, %broadcast_in_dim3A_94] : memref<16x16xf32, #tpu.memory_space<vmem>>[vector<16xi32>, vector<16xi32>], vector<16xf32>,
      %add3A_96 = arith.addf %add3A_92, %gather3A_95 : vector<16xf32>
      %mul3A_97 = arith.constant 16 : i32
      %mul3A_98 = arith.muli %scan3A_27, %mul3A_97 : i32
      %swap3A = arith.index_cast %mul3A_98 : i32 to index
      %swap3A_99 = tpu.vector_load %arg11[%swap3A] {strides = array<i32>} : memref<128xf32, #tpu.memory_space<vmem>>, vector<16xf32>,
      tpu.vector_store %arg11[%swap3A], %add3A_96 {strides = array<i32>} : memref<128xf32, #tpu.memory_space<vmem>>, vector<16xf32>,
    }
    %scan3A_24 = arith.constant 8 : i32
    %mul3A_25 = arith.constant 128 : i32
    %mul3A_26 = arith.muli %add3A, %mul3A_25 : i32
    "tpu.region"() ({
      %run_scoped3A = tpu.sem_alloc : memref<!tpu.dma_semaphore, #tpu.memory_space<semaphore_mem>>
      %dma_start3A_27 = tpu.memref_slice %arg5[%mul3A_26] : memref<4096xf32, #tpu.memory_space<hbm>> -> memref<128xf32, #tpu.memory_space<hbm>>
      %dma_start3A_28 = tpu.memref_slice %arg5[%mul3A_26] : memref<4096xf32, #tpu.memory_space<hbm>> -> memref<128xf32, #tpu.memory_space<hbm>>
      tpu.enqueue_dma source(%arg11 : memref<128xf32, #tpu.memory_space<vmem>>) target(%dma_start3A_28 : memref<128xf32, #tpu.memory_space<hbm>>) target_semaphore(%run_scoped3A : memref<!tpu.dma_semaphore, #tpu.memory_space<semaphore_mem>>)
      %dma_wait3A = tpu.memref_slice %arg5[%mul3A_26] : memref<4096xf32, #tpu.memory_space<hbm>> -> memref<128xf32, #tpu.memory_space<hbm>>
      %dma_wait3A_29 = tpu.memref_slice %arg5[%mul3A_26] : memref<4096xf32, #tpu.memory_space<hbm>> -> memref<128xf32, #tpu.memory_space<hbm>>
      tpu.wait_dma2 semaphore(%run_scoped3A : memref<!tpu.dma_semaphore, #tpu.memory_space<semaphore_mem>>) src(%arg11 : memref<128xf32, #tpu.memory_space<vmem>>) dst(%dma_wait3A_29 : memref<128xf32, #tpu.memory_space<hbm>>)
      tpu.yield
    }) : () -> ()
    return
  }
}

</mosaic_0001>

<sc_bundles>
// kernel: _impl.3.cloned.1.call-start
scs
__scs_entry_jumppad:
0x0: {  	(pc) =	sbr.rel $0x88, $3  }
0x1: {  	(tag) =	ssettag $0x0;
	lr =	simm.s32 $0x1  }
0x2: {  	[smem:$0x3F9D] =	sst lr;
	_ =	strace $0xD0000000  }
0x3: {  	_ = 	snop  }
0x4: {  	_ = 	snop  }
0x5: {  	_ = 	snop  }
0x6: {  	_ = 	snop  }
0x7: {  	_ = 	snop  }
__scs_overlays_trampoline_lowered:
0x8: {  	[smem:$0x3FAC] =	sst s0  }
0x9: {  	[smem:$0x3FAD] =	sst s1  }
0xa: {  	[smem:$0x3FAE] =	sst s2  }
0xb: {  	[smem:$0x3FAF] =	sst s3  }
0xc: {  	[smem:$0x3FB0] =	sst s4  }
0xd: {  	[smem:$0x3FB1] =	sst s5  }
0xe: {  	[smem:$0x3FB2] =	sst s6  }
0xf: {  	[smem:$0x3FB3] =	sst s7  }
0x10: {  	[smem:$0x3FB4] =	sst s8  }
0x11: {  	[smem:$0x3FB5] =	sst s9;
	s0 =	simm.s32 @!p0 $0x0  }
0x12: {  	s1 =	sld [smem:$0x3F9B];
	s0 =	simm.s32 @p0 $0x1  }
0x13: {  	[smem:$0x3FB6] =	sst s0;
	s0 =	simm.s32 @!p1 $0x0  }
0x14: {  	s2 =	sld [smem:$0x3F9A];
	s0 =	simm.s32 @p1 $0x1  }
0x15: {  	[smem:$0x3FB7] =	sst s0;
	s0 =	simm.s32 @!p2 $0x0  }
0x16: {  	s3 =	sld [smem:$0x3FDB];
	s0 =	simm.s32 @p2 $0x1  }
0x17: {  	s4 =	simm.s32 $0x1BF5;
	[smem:$0x3FB9] =	sst s0  }
0x18: {  	s0 =	sld [smem:$0x3F9C];
	_ =	swait.ge [sflag:s4], $0x0  }
0x19: {  	s7 =	sld [smem:$0x3F9D]  }
0x1a: {  	s8 =	sadd.s32 $0xFFFFE003, lr  }
0x1b: {  	s9 =	sadd.s32 $0xFFFFFEF7, lr;
	s5 =	simm.s32 $0xFFFFFFFF;
	p2 =	slt.u32 s8, $0xFFFFF086  }
0x1c: {  	p1 =	slt.u32 s9, $0xF7A;
	s5 =	simm.s32 @!p2 $0x0  }
0x1d: {  	s5 =	simm.s32 @p1 $0x1;
	p0 =	seq.s32 s7, s2  }
0x1e: {  	s7 =	smul.u32 @!p0 $0xF7A, s2;
	p2 =	seq.s32 @!p0 s5, $0x0  }
0x1f: {  	s9 =	smul.u32 $0xF7A, s1;
	s8 =	simm.s32 @!p0 $0x1BF5;
	p2 =	por !p2, p0  }
0x20: {  	[sflag:s8] =	ssyncset.s32 @!p0 $0xFFFFF086;
	s6 =	sadd.s32 @!p0 s3, s7;
	s7 =	simm.s32 @!p0 $0x108  }
0x21: {  	s3 =	sadd.s32 s3, s9;
	s6 =	sadd.s32 @!p0 $0x88, s6;
	s7 =	simm.s32 @p2 $0x1082  }
0x22: {  	[simem:s7], [sflag:s8] =	dma.local @!p0 [hbm:s6], $0xF7A  }
0x23: {  	s9 =	sor.u32 $0xD0000000, s2;
	s6 =	simm.s32 $0x108;
	_ =	swait.ge @!p0 [sflag:s8], $0x0  }
0x24: {  	s3 =	sadd.s32 $0x88, s3;
	s6 =	simm.s32 @!p1 $0x1082;
	[sflag:s4] =	ssyncset.s32 $0xFFFFF086  }
0x25: {  	[simem:s6], [sflag:s4] =	dma.local [hbm:s3], $0xF7A  }
0x26: {  	[smem:$0x3F9D] =	sst s1;
	(tag) =	ssettag s2;
	_ =	strace s9  }
0x27: {  	s1 =	sld [smem:$0x3FAD]  }
0x28: {  	s2 =	sld [smem:$0x3FAE]  }
0x29: {  	s4 =	sld [smem:$0x3FB0]  }
0x2a: {  	p0 =	seq.s32 s5, $0x0;
	s5 =	sld [smem:$0x3FB1]  }
0x2b: {  	s6 =	sld [smem:$0x3FB2]  }
0x2c: {  	s7 =	sld [smem:$0x3FB3]  }
0x2d: {  	s3 =	simm.s32 $0x108;
	s8 =	sld [smem:$0x3FB4]  }
0x2e: {  	s3 =	simm.s32 @!p0 $0x1082;
	s9 =	sld [smem:$0x3FB5]  }
0x2f: {  	lr =	sadd.s32 s0, s3;
	s0 =	sld [smem:$0x3FAC]  }
0x30: {  	s3 =	sld [smem:$0x3FAF]  }
0x31: {  	[smem:$0x3FB8] =	sst s10  }
0x32: {  	s10 =	sld [smem:$0x3FB6];
	_ =	sdelay $0x3  }
0x33: {  	p0 =	seq.s32 s10, $0x1;
	s10 =	sld [smem:$0x3FB8];
	_ =	sdelay $0x3  }
0x34: {  	[smem:$0x3FB8] =	sst s10  }
0x35: {  	s10 =	sld [smem:$0x3FB7];
	_ =	sdelay $0x3  }
0x36: {  	p1 =	seq.s32 s10, $0x1;
	s10 =	sld [smem:$0x3FB8];
	_ =	sdelay $0x3  }
0x37: {  	[smem:$0x3FB8] =	sst s10  }
0x38: {  	s10 =	sld [smem:$0x3FB9]  }
0x39: {  	_ = 	snop;
	(pc) =	sbr.ind lr, $3  }
0x3a: {  	_ = 	snop  }
0x3b: {  	_ = 	snop  }
0x3c: {  	p2 =	seq.s32 s10, $0x1;
	s10 =	sld [smem:$0x3FB8]  }
0x3d: {  	_ =	shalt  }
0x3e: {  	_ =	shalt  }
0x3f: {  	_ =	shalt  }
0x40: {  	_ =	shalt  }
0x41: {  	_ =	shalt  }
0x42: {  	_ =	shalt  }
0x43: {  	_ =	shalt  }
0x44: {  	_ =	shalt  }
0x45: {  	_ =	shalt  }
0x46: {  	_ =	shalt  }
0x47: {  	_ =	shalt  }
0x48: {  	_ =	shalt  }
0x49: {  	_ =	shalt  }
0x4a: {  	_ =	shalt  }
0x4b: {  	_ =	shalt  }
0x4c: {  	_ =	shalt  }
0x4d: {  	_ =	shalt  }
0x4e: {  	_ =	shalt  }
0x4f: {  	_ =	shalt  }
0x50: {  	_ =	shalt  }
0x51: {  	_ =	shalt  }
0x52: {  	_ =	shalt  }
0x53: {  	_ =	shalt  }
0x54: {  	_ =	shalt  }
0x55: {  	_ =	shalt  }
0x56: {  	_ =	shalt  }
0x57: {  	_ =	shalt  }
0x58: {  	_ =	shalt  }
0x59: {  	_ =	shalt  }
0x5a: {  	_ =	shalt  }
0x5b: {  	_ =	shalt  }
0x5c: {  	_ =	shalt  }
0x5d: {  	_ =	shalt  }
0x5e: {  	_ =	shalt  }
0x5f: {  	_ =	shalt  }
0x60: {  	_ =	shalt  }
0x61: {  	_ =	shalt  }
0x62: {  	_ =	shalt  }
0x63: {  	_ =	shalt  }
0x64: {  	_ =	shalt  }
0x65: {  	_ =	shalt  }
0x66: {  	_ =	shalt  }
0x67: {  	_ =	shalt  }
0x68: {  	_ =	shalt  }
0x69: {  	_ =	shalt  }
0x6a: {  	_ =	shalt  }
0x6b: {  	_ =	shalt  }
0x6c: {  	_ =	shalt  }
0x6d: {  	_ =	shalt  }
0x6e: {  	_ =	shalt  }
0x6f: {  	_ =	shalt  }
0x70: {  	_ =	shalt  }
0x71: {  	_ =	shalt  }
0x72: {  	_ =	shalt  }
0x73: {  	_ =	shalt  }
0x74: {  	_ =	shalt  }
0x75: {  	_ =	shalt  }
0x76: {  	_ =	shalt  }
0x77: {  	_ =	shalt  }
0x78: {  	_ =	shalt  }
0x79: {  	_ =	shalt  }
0x7a: {  	_ =	shalt  }
0x7b: {  	_ =	shalt  }
0x7c: {  	_ =	shalt  }
0x7d: {  	_ =	shalt  }
0x7e: {  	_ =	shalt  }
0x7f: {  	_ =	shalt  }
0x80: {  	_ =	shalt  }
0x81: {  	_ =	shalt  }
0x82: {  	_ =	shalt  }
0x83: {  	_ =	shalt  }
0x84: {  	_ =	shalt  }
0x85: {  	_ =	shalt  }
0x86: {  	_ =	shalt  }
0x87: {  	_ =	shalt  }
.Lfunc_end0:
.L_simem_size_0:
called_computation_lowered:
.L_overlay_start_0:
0x88: {  	s2 =	sld [smem:$0x3FD9]  }
0x89: {  	s3 =	sld [smem:$0x3FFE];
	_ =	sdelay $0x1  }
0x8a: {  	s1 =	srdreg.scid  }
0x8b: {  	s0 =	sand.u32 $0x1, s1  }
0x8c: {  	s17 =	sshll.u32 s0, $0xA;
	s2 =	sadd.s32 s3, s2  }
0x8d: {  	s2 =	sadd.s32 s2, s17  }
0x8e: {  	[smem:$0x3FC4] =	sst s2  }
0x8f: {  	_ = 	snop  }
0x90: {  	s2 =	sld [smem:$0x3FC7]  }
0x91: {  	s18 =	sld [smem:$0x3FD0];
	(tm) =	ssettm $0x1  }
0x92: {  	s4 =	sld [smem:$0x3FFB];
	_ =	sdelay $0x3  }
0x93: {  	_ =	strace s4  }
0x94: {  	s4 =	sld [smem:$0x3FFC];
	_ =	sdelay $0x3  }
0x95: {  	_ =	strace s4  }
0x96: {  	s4 =	sld [smem:$0x3FFD];
	_ =	sdelay $0x3  }
0x97: {  	_ =	strace s4  }
0x98: {  	_ =	strace $0x8FFFFFFF  }
0x99: {  	s19 =	sld [smem:$0x3FDB];
	_ =	sdelay $0x1  }
0x9a: {  	s5 =	simm.s32 $_scs_section_size  }
0x9b: {  	s6 =	simm.s32 $_size__tile_overlayer_lowered;
	s7 =	simm.s32 $_tile_overlayer_lowered  }
0x9c: {  	s22 =	simm.s32 $0x1BFF;
	s21 =	sshll.u32 s7, $0x1;
	s4 =	sadd.s32 s5, s19  }
0x9d: {  	s8 =	simm.s32 $0x0;
	s20 =	sshll.u32 s6, $0x1;
	s6 =	sadd.s32 s21, s4  }
0x9e: {  	[timem:s8], [sflag:s22] =	dma.local [hbm:s6], s20  }
0x9f: {  	_ =	swait.ge [sflag:s22], s20  }
0xa0: {  	s5 =	ssub.s32 $0x0, s20;
	[sflag:s22] =	ssyncset.done $0x0  }
0xa1: {  	[sflag:s22] =	ssyncadd.s32 s5;
	_ =	sdelay $0x1  }
0xa2: {  	s23 =	simm.s32 $0x1B8B  }
0xa3: {  	_ =	swait.ge [sflag:s23], $0x1  }
0xa4: {  	[sflag:s23] =	ssyncset.done $0x0  }
0xa5: {  	s25 =	simm.s32 $0x1B8E;
	s24 =	sld [smem:$0x3FFE];
	[sflag:s23] =	ssyncadd.s32 $0xFFFFFFFF  }
0xa6: {  	s26 =	simm.s32 $execute0_lowered;
	[smem:$0x3FD2] =	sst s25  }
0xa7: {  	s6 =	sshll.u32 s26, $0x1;
	_ =	strace $0x80000046;
	[dreg:$0x1] =	wrdreg $0xFFFFFFFF  }
0xa8: {  	s28 =	simm.s32 $_size_execute0_lowered;
	s4 =	sadd.s32 s4, s6;
	[dreg:$0x0] =	wrdreg $0x0  }
0xa9: {  	s6 =	sshll.u32 s28, $0x1;
	[dreg:$0x2] =	wrdreg s4  }
0xaa: {  	[dreg:$0x3] =	wrdreg s6  }
0xab: {  	[dreg:$0x4] =	wrdreg $0xC0  }
0xac: {  	_ =	task [dreg:s8], $0x5FFFF  }
0xad: {  	[dreg:$0x1] =	wrdreg $0xFFFFFFFF  }
0xae: {  	[dreg:$0x0] =	wrdreg $0x60  }
0xaf: {  	[dreg:$0x2] =	wrdreg s24  }
0xb0: {  	[dreg:$0x3] =	wrdreg s2  }
0xb1: {  	[dreg:$0x4] =	wrdreg s18  }
0xb2: {  	[dreg:$0x5] =	wrdreg $0x9  }
0xb3: {  	_ =	task.clear_ibuf [dreg:s8], $0x6FFFF;
	_ =	strace $0x90000046  }
0xb4: {  	s29 =	simm.s32 $0x9;
	_ =	strace $0x80000048  }
0xb5: {  	_ =	swait.ge [sflag:s29], $0x1  }
0xb6: {  	[sflag:s29] =	ssyncadd.s32 $0xFFFFFFFF  }
0xb7: {  	_ =	strace $0x90000048  }
0xb8: {  	_ =	sfence  }
0xb9: {  	s30 =	sld [smem:$0x0];
	_ =	sdelay $0x2  }
0xba: {  	s31 =	sshll.u32 s1, $0xD;
	s1 =	sshrl.u32 s1, $0x2  }
0xbb: {  	s3 =	sand.u32 $0x4000, s31;
	s1 =	sadd.s32 s1, s30  }
0xbc: {  	s0 =	sor.u32 s3, s0;
	s1 =	sshll.u32 s1, $0x11  }
0xbd: {  	s0 =	sor.u32 s1, s0  }
0xbe: {  	s0 =	sadd.s32 $0x8F2B, s0  }
0xbf: {  	[sflag:s0] =	ssyncadd.remote.s32 $0x1  }
0xc0: {  	_ =	sfence.sel $0xFFFF  }
0xc1: {  	[dreg:$0x0] =	wrdreg $0xFFFFFFFF;
	(pc) =	sbr.abs _section_cstart, $3  }
0xc2: {  	[dreg:$0x1] =	wrdreg $0xFFFFFFFF  }
0xc3: {  	_ =	task.clear_ibuf [dreg:s8], $0x2FFFF;
	_ =	strace $0x9FFFFFFF  }
0xc4: {  	(tm) =	ssettm $0x7FFFFFFF  }
0xc5: {  	_ =	shalt  }
tec
execute0_lowered:
.L_overlay_start_1:
0x0: {  	(tag) =	ssettag $0x1  }
0x1: {  	s4 =	rddreg [dreg:$0x0]  }
0x2: {  	s2 =	rddreg [dreg:$0x1];
	s1 =	srdreg.scid  }
0x3: {  	s0 =	stileid.u32;
	s6 =	rddreg [dreg:$0x2]  }
0x4: {  	s3 =	simm.s32 $0x0;
	s10 =	simm.s32 $0x80;
	s11 =	simm.s32 $0x6400  }
0x5: {  	s12 =	simm.s32 $0x48;
	s13 =	simm.s32 $0x7400;
	s14 =	simm.s32 $0x7D00  }
0x6: {  	v0 =	vlaneseq.u32;
	s15 =	simm.s32 $0x8D00;
	s16 =	simm.s32 $0x1;
	s17 =	simm.s32 $0x2  }
0x7: {  	s18 =	simm.s32 $0x9620;
	s19 =	simm.s32 $0x9720;
	s20 =	simm.s32 $0x0;
	v0 =	vmul.u32 $0x10, v0  }
0x8: {  	s5 =	sand.u32 $0x1, s1;
	s7 =	sshll.u32 s0, $0x1;
	s1 =	rddreg [dreg:$0x3]  }
0x9: {  	[smem:$0x7FF] =	sst s3;
	s7 =	sor.u32 s5, s7;
	s5 =	ssub.s32 $0x2, s5;
	v1 =	vor.u32 $0x1, v0;
	v2 =	vor.u32 $0x2, v0;
	v3 =	vor.u32 $0x3, v0  }
0xa: {  	s8 =	smul.u32 $0xC80, s7;
	s9 =	sshrl.u32 s5, $0x1;
	s7 =	sshll.u32 s7, $0x4;
	v4 =	vor.u32 $0x4, v0;
	v5 =	vor.u32 $0x5, v0;
	v6 =	vor.u32 $0x6, v0  }
0xb: {  	_ =	strace $0x80000047;
	v7 =	vor.u32 $0x7, v0;
	v8 =	vor.u32 $0x8, v0;
	v9 =	vor.u32 $0x9, v0;
	s9 =	ssub.s32 s5, s9;
	s6 =	sadd.s32 s6, s7  }
0xc: {  	v10 =	vor.u32 $0xA, v0;
	v11 =	vor.u32 $0xB, v0;
	v12 =	vor.u32 $0xC, v0;
	s8 =	sadd.s32 s8, s4;
	s4 =	sadd.s32 $0xF42A00, s4;
	s7 =	smax.u32 s9, $0x1  }
0xd: {  	v13 =	vor.u32 $0xD, v0;
	v14 =	vor.u32 $0xE, v0;
	v15 =	vor.u32 $0xF, v0;
	s9 =	simm.s32 $0x9600;
	s5 =	sadd.s32 $0x600, s8;
	s8 =	simm.s32 $0x3  }
.LBB2_1:
0xe: {  	[tilespmem:s3], [sflag:$0x3] =	stream.linear.gather [hbm4b:s5+s3], $0x6400, $0x38;
	[tilespmem:$0x97A0] =	vst v63  }
0xf: {  	_ =	swait.ge [sflag:s8], $0x6400  }
0x10: {  	[sflag:s8] =	ssyncset.done $0x0  }
0x11: {  	[sflag:s8] =	ssyncadd.s32 $0xFFFF9C00  }
0x12: {  	[tilespmem:s9], [sflag:$0x3] =	stream.linear.gather [hbm4b:s2+s3], $0x20, $0x38;
	[tilespmem:$0x97A0] =	vst v63  }
0x13: {  	_ =	swait.ge [sflag:s8], $0x20  }
0x14: {  	[sflag:s8] =	ssyncset.done $0x0  }
0x15: {  	[sflag:s8] =	ssyncadd.s32 $0xFFFFFFE0  }
0x16: {  	v16 =	vld [tilespmem:$0x9600]  }
0x17: {  	v17 =	vld [tilespmem:$0x9610];
	[tilespmem:s11], [sflag:$0x1] =	stream.indirect.gather [hbm4b:s4+s10], $0x20, s3, s10, $0xb8  }
0x18: {  	s21 =	simm.s32 $0x0  }
0x19: {  	[tilespmem:s13], [sflag:$0x1] =	stream.indirect.gather [hbm4b:s4+s12], $0x20, s10, s12, $0xb8;
	[tilespmem:$0x97A0] =	vst v63  }
.LBB2_2:
0x1a: {  	s22 =	sshll.u32 s21, $0x4;
	s23 =	simm.s32 $0x0  }
.LBB2_3:
0x1b: {  	s24 =	sshll.u32 s23, $0x1  }
0x1c: {  	s26 =	sadd.s32 s22, s24  }
0x1d: {  	s24 =	smul.u32 $0x320, s26;
	_ =	sdelay $0x1  }
0x1e: {  	s24 =	sshra.s32 s24, $0x2  }
0x1f: {  	s25 =	sadd.s32 $0xC8, s24  }
0x20: {  	[tilespmem:s14], [sflag:$0x2] =	stream.indirect.gather [hbm4b:s4+s10], $0x20, s25, s10, $0xb8;
	[tilespmem:$0x97A0] =	vst v63  }
0x21: {  	s31 =	sadd.s32 $0x148, s24  }
0x22: {  	[tilespmem:s15], [sflag:$0x2] =	stream.indirect.gather [hbm4b:s4+s12], $0x20, s31, s12, $0xb8;
	[tilespmem:$0x97A0] =	vst v63  }
0x23: {  	_ =	swait.ge [sflag:s16], $0x1000  }
0x24: {  	[sflag:s16] =	ssyncset.done $0x0  }
0x25: {  	[sflag:s16] =	ssyncadd.s32 $0xFFFFF000  }
0x26: {  	_ =	swait.ge [sflag:s16], $0x900  }
0x27: {  	[sflag:s16] =	ssyncset.done $0x0  }
0x28: {  	s25 =	simm.s32 $0x0;
	[sflag:s16] =	ssyncadd.s32 $0xFFFFF700  }
0x29: {  	v18 =	vld [tilespmem:s25+$0x64C0]  }
0x2a: {  	v20 =	vld [tilespmem:s25+$0x64D0]  }
0x2b: {  	v19 =	vld [tilespmem:s25+$0x6480]  }
0x2c: {  	v21 =	vld [tilespmem:s25+$0x6490]  }
0x2d: {  	v22 =	vld [tilespmem:s25+$0x6440]  }
0x2e: {  	v23 =	vld [tilespmem:s25+$0x6450]  }
0x2f: {  	v28 =	vld [tilespmem:s25+$0x6400]  }
0x30: {  	v24 =	vimm.f32 $0.0e+00;
	v30 =	vld [tilespmem:s25+$0x6410]  }
0x31: {  	s28 =	simm.s32 $0x400;
	v27 =	vimm.f32 $0.0e+00;
	v25 =	vimm.f32 $0.0e+00;
	v26 =	vimm.f32 $0.0e+00;
	v29 =	vld [tilespmem:s25+$0x6420]  }
.LBB2_4:
0x32: {  	p0 =	sne.s32 s28, $0x6000;
	v31 =	vld [tilespmem:s25+$0x6430]  }
0x33: {  	v32 =	vld [tilespmem:s25+$0x6460]  }
0x34: {  	v33 =	vld [tilespmem:s25+$0x6470]  }
0x35: {  	v34 =	vld [tilespmem:s25+$0x64A0]  }
0x36: {  	v24 =	vadd.f32 v28, v24;
	v27 =	vadd.f32 v30, v27;
	v28 =	vld [tilespmem:s25+$0x64B0]  }
0x37: {  	v25 =	vadd.f32 v29, v25;
	v26 =	vadd.f32 v31, v26;
	v29 =	vld [tilespmem:s25+$0x64E0]  }
0x38: {  	v22 =	vadd.f32 v22, v24;
	v23 =	vadd.f32 v23, v27;
	v30 =	vld [tilespmem:s25+$0x64F0];
	s25 =	sshra.s32 s28, $0x2  }
0x39: {  	v24 =	vadd.f32 v32, v25;
	v31 =	vld [tilespmem:s25+$0x64C0];
	v25 =	vadd.f32 v33, v26  }
0x3a: {  	v22 =	vadd.f32 v19, v22;
	v23 =	vadd.f32 v21, v23;
	v32 =	vld [tilespmem:s25+$0x64D0]  }
0x3b: {  	v26 =	vadd.f32 v34, v24;
	v19 =	vld [tilespmem:s25+$0x6480];
	v28 =	vadd.f32 v28, v25  }
0x3c: {  	v24 =	vadd.f32 v18, v22;
	v27 =	vadd.f32 v20, v23;
	v21 =	vld [tilespmem:s25+$0x6490]  }
.Ltmp0:
0x3d: {  	v25 =	vadd.f32 v29, v26;
	v22 =	vld [tilespmem:s25+$0x6440];
	v26 =	vadd.f32 v30, v28;
	(pc) =	sbr.rel @p0 .LBB2_4-.Ltmp0, $4  }
0x3e: {  	v23 =	vld [tilespmem:s25+$0x6450];
	v18 =	vmov v31  }
0x3f: {  	v28 =	vld [tilespmem:s25+$0x6400];
	v20 =	vmov v32  }
0x40: {  	v30 =	vld [tilespmem:s25+$0x6410]  }
0x41: {  	s28 =	sadd.s32 $0x400, s28;
	v29 =	vld [tilespmem:s25+$0x6420]  }
0x42: {  	v31 =	vld [tilespmem:s25+$0x6430]  }
0x43: {  	v32 =	vld [tilespmem:s25+$0x6460]  }
0x44: {  	v33 =	vld [tilespmem:s25+$0x6470]  }
0x45: {  	v34 =	vld [tilespmem:s25+$0x64A0]  }
0x46: {  	v24 =	vadd.f32 v28, v24;
	v28 =	vld [tilespmem:s25+$0x64B0];
	v27 =	vadd.f32 v30, v27  }
0x47: {  	v25 =	vadd.f32 v29, v25;
	v29 =	vld [tilespmem:s25+$0x64E0];
	v26 =	vadd.f32 v31, v26  }
0x48: {  	v22 =	vadd.f32 v22, v24;
	v24 =	vld [tilespmem:s25+$0x64F0];
	v23 =	vadd.f32 v23, v27  }
0x49: {  	v25 =	vadd.f32 v32, v25;
	v26 =	vadd.f32 v33, v26  }
0x4a: {  	v19 =	vadd.f32 v19, v22;
	v21 =	vadd.f32 v21, v23  }
0x4b: {  	v22 =	vadd.f32 v34, v25;
	v23 =	vadd.f32 v28, v26  }
0x4c: {  	v18 =	vadd.f32 v18, v19;
	v19 =	vadd.f32 v20, v21  }
0x4d: {  	v20 =	vadd.f32 v29, v22;
	v21 =	vadd.f32 v24, v23;
	_ =	sdelay $0x1  }
0x4e: {  	v18 =	vadd.f32 v20, v18;
	v19 =	vadd.f32 v21, v19;
	_ =	sdelay $0x1  }
0x4f: {  	v18 =	vmul.f32 v18, v16;
	v19 =	vmul.f32 v19, v17;
	_ =	sdelay $0x1  }
0x50: {  	s31 =	sshll.u32 s23, $0x5;
	v18 =	vadd.f32 v19, v18  }
0x51: {  	p0 =	sgt.u32 s26, $0x7D;
	s25 =	sand.u32 $0x3FFFFFE0, s31  }
0x52: {  	s26 =	sadd.s32 @!p0 $0x190, s24;
	s28 =	simm.s32 @!p0 $0x80;
	s29 =	simm.s32 @!p0 $0x6400;
	[tilespmem:s25+$0x9620] =	vst v18  }
0x53: {  	[tilespmem:s29], [sflag:$0x1] =	stream.indirect.gather @!p0 [hbm4b:s4+s28], $0x20, s26, s28, $0xb8;
	[tilespmem:$0x97A0] =	vst v63  }
0x54: {  	s24 =	sadd.s32 @!p0 $0x210, s24;
	s26 =	simm.s32 @!p0 $0x48;
	s28 =	simm.s32 @!p0 $0x7400  }
0x55: {  	[tilespmem:s28], [sflag:$0x1] =	stream.indirect.gather @!p0 [hbm4b:s4+s26], $0x20, s24, s26, $0xb8;
	[tilespmem:$0x97A0] =	vst v63  }
0x56: {  	_ =	swait.ge [sflag:s17], $0x1000  }
0x57: {  	[sflag:s17] =	ssyncset.done $0x0  }
0x58: {  	[sflag:s17] =	ssyncadd.s32 $0xFFFFF000  }
0x59: {  	_ =	swait.ge [sflag:s17], $0x900  }
0x5a: {  	[sflag:s17] =	ssyncset.done $0x0  }
0x5b: {  	s24 =	simm.s32 $0x0;
	[sflag:s17] =	ssyncadd.s32 $0xFFFFF700  }
0x5c: {  	v18 =	vld [tilespmem:s24+$0x7DC0]  }
0x5d: {  	v20 =	vld [tilespmem:s24+$0x7DD0]  }
0x5e: {  	v19 =	vld [tilespmem:s24+$0x7D80]  }
0x5f: {  	v21 =	vld [tilespmem:s24+$0x7D90]  }
0x60: {  	v22 =	vld [tilespmem:s24+$0x7D40]  }
0x61: {  	v23 =	vld [tilespmem:s24+$0x7D50]  }
0x62: {  	v28 =	vld [tilespmem:s24+$0x7D00]  }
0x63: {  	v27 =	vimm.f32 $0.0e+00;
	v30 =	vld [tilespmem:s24+$0x7D10]  }
0x64: {  	v25 =	vimm.f32 $0.0e+00;
	v26 =	vimm.f32 $0.0e+00;
	v24 =	vimm.f32 $0.0e+00;
	s26 =	simm.s32 $0x400;
	v29 =	vld [tilespmem:s24+$0x7D20]  }
.LBB2_6:
0x65: {  	p0 =	sne.s32 s26, $0x6000;
	v31 =	vld [tilespmem:s24+$0x7D30]  }
0x66: {  	v32 =	vld [tilespmem:s24+$0x7D60]  }
0x67: {  	v33 =	vld [tilespmem:s24+$0x7D70]  }
0x68: {  	v34 =	vld [tilespmem:s24+$0x7DA0]  }
0x69: {  	v24 =	vadd.f32 v28, v24;
	v27 =	vadd.f32 v30, v27;
	v28 =	vld [tilespmem:s24+$0x7DB0]  }
0x6a: {  	v25 =	vadd.f32 v29, v25;
	v26 =	vadd.f32 v31, v26;
	v29 =	vld [tilespmem:s24+$0x7DE0]  }
0x6b: {  	v22 =	vadd.f32 v22, v24;
	v23 =	vadd.f32 v23, v27;
	v30 =	vld [tilespmem:s24+$0x7DF0];
	s24 =	sshra.s32 s26, $0x2  }
0x6c: {  	v24 =	vadd.f32 v32, v25;
	v31 =	vld [tilespmem:s24+$0x7DC0];
	v25 =	vadd.f32 v33, v26  }
0x6d: {  	v22 =	vadd.f32 v19, v22;
	v23 =	vadd.f32 v21, v23;
	v32 =	vld [tilespmem:s24+$0x7DD0]  }
0x6e: {  	v26 =	vadd.f32 v34, v24;
	v19 =	vld [tilespmem:s24+$0x7D80];
	v28 =	vadd.f32 v28, v25  }
0x6f: {  	v24 =	vadd.f32 v18, v22;
	v27 =	vadd.f32 v20, v23;
	v21 =	vld [tilespmem:s24+$0x7D90]  }
.Ltmp1:
0x70: {  	v25 =	vadd.f32 v29, v26;
	v22 =	vld [tilespmem:s24+$0x7D40];
	v26 =	vadd.f32 v30, v28;
	(pc) =	sbr.rel @p0 .LBB2_6-.Ltmp1, $4  }
0x71: {  	v23 =	vld [tilespmem:s24+$0x7D50];
	v18 =	vmov v31  }
0x72: {  	v28 =	vld [tilespmem:s24+$0x7D00];
	v20 =	vmov v32  }
0x73: {  	v30 =	vld [tilespmem:s24+$0x7D10]  }
0x74: {  	s26 =	sadd.s32 $0x400, s26;
	v29 =	vld [tilespmem:s24+$0x7D20]  }
0x75: {  	v31 =	vld [tilespmem:s24+$0x7D30]  }
0x76: {  	v32 =	vld [tilespmem:s24+$0x7D60]  }
0x77: {  	v33 =	vld [tilespmem:s24+$0x7D70]  }
0x78: {  	v34 =	vld [tilespmem:s24+$0x7DA0]  }
0x79: {  	v57 =	vld [tilespmem:s24+$0x7DB0];
	v24 =	vadd.f32 v28, v24;
	v27 =	vadd.f32 v30, v27  }
0x7a: {  	v58 =	vld [tilespmem:s24+$0x7DE0];
	v25 =	vadd.f32 v29, v25;
	v26 =	vadd.f32 v31, v26  }
0x7b: {  	v59 =	vld [tilespmem:s24+$0x7DF0];
	v22 =	vadd.f32 v22, v24;
	v23 =	vadd.f32 v23, v27  }
0x7c: {  	v25 =	vadd.f32 v32, v25;
	v26 =	vadd.f32 v33, v26  }
0x7d: {  	v19 =	vadd.f32 v19, v22;
	v21 =	vadd.f32 v21, v23  }
0x7e: {  	v60 =	vadd.f32 v34, v25;
	v61 =	vadd.f32 v57, v26  }
0x7f: {  	v18 =	vadd.f32 v18, v19;
	v19 =	vadd.f32 v20, v21  }
0x80: {  	v62 =	vadd.f32 v58, v60;
	v63 =	vadd.f32 v59, v61;
	_ =	sdelay $0x1  }
0x81: {  	s23 =	sadd.s32 $0x1, s23;
	v18 =	vadd.f32 v62, v18;
	v19 =	vadd.f32 v63, v19  }
0x82: {  	p0 =	sne.s32 s23, $0x8  }
.Ltmp2:
0x83: {  	v18 =	vmul.f32 v18, v16;
	v19 =	vmul.f32 v19, v17;
	(pc) =	sbr.rel @p0 .LBB2_3-.Ltmp2, $3  }
0x84: {  	_ = 	snop  }
0x85: {  	v18 =	vadd.f32 v19, v18;
	_ =	sdelay $0x1  }
0x86: {  	[tilespmem:s25+$0x9630] =	vst v18  }
0x87: {  	_ =	sdelay $0x3  }
0x88: {  	v18 =	vld.idx.msk [tilespmem:v0+s18+$0x0], $0xffff;
	_ =	sdelay $0x1  }
0x89: {  	v19 =	vld.idx.msk [tilespmem:v1+s18+$0x0], $0xffff;
	_ =	sdelay $0x1  }
0x8a: {  	v20 =	vld.idx.msk [tilespmem:v2+s18+$0x0], $0xffff  }
0x8b: {  	v18 =	vadd.f32 $0.0e+00, v18  }
0x8c: {  	v21 =	vld.idx.msk [tilespmem:v3+s18+$0x0], $0xffff  }
0x8d: {  	v18 =	vadd.f32 v19, v18  }
0x8e: {  	v19 =	vld.idx.msk [tilespmem:v4+s18+$0x0], $0xffff  }
0x8f: {  	v18 =	vadd.f32 v20, v18  }
0x90: {  	v56 =	vld.idx.msk [tilespmem:v5+s18+$0x0], $0xffff  }
0x91: {  	v18 =	vadd.f32 v21, v18  }
0x92: {  	v57 =	vld.idx.msk [tilespmem:v6+s18+$0x0], $0xffff  }
0x93: {  	v18 =	vadd.f32 v19, v18  }
0x94: {  	v19 =	vld.idx.msk [tilespmem:v7+s18+$0x0], $0xffff  }
0x95: {  	v18 =	vadd.f32 v56, v18  }
0x96: {  	v58 =	vld.idx.msk [tilespmem:v8+s18+$0x0], $0xffff  }
0x97: {  	v18 =	vadd.f32 v57, v18  }
0x98: {  	v59 =	vld.idx.msk [tilespmem:v9+s18+$0x0], $0xffff  }
0x99: {  	v18 =	vadd.f32 v19, v18  }
0x9a: {  	v19 =	vld.idx.msk [tilespmem:v10+s18+$0x0], $0xffff  }
0x9b: {  	v18 =	vadd.f32 v58, v18  }
0x9c: {  	v60 =	vld.idx.msk [tilespmem:v11+s18+$0x0], $0xffff  }
0x9d: {  	v18 =	vadd.f32 v59, v18  }
0x9e: {  	v61 =	vld.idx.msk [tilespmem:v12+s18+$0x0], $0xffff  }
0x9f: {  	v18 =	vadd.f32 v19, v18  }
0xa0: {  	v19 =	vld.idx.msk [tilespmem:v13+s18+$0x0], $0xffff  }
0xa1: {  	v18 =	vadd.f32 v60, v18  }
0xa2: {  	v62 =	vld.idx.msk [tilespmem:v14+s18+$0x0], $0xffff  }
0xa3: {  	v18 =	vadd.f32 v61, v18  }
0xa4: {  	v63 =	vld.idx.msk [tilespmem:v15+s18+$0x0], $0xffff  }
0xa5: {  	s21 =	sadd.s32 $0x1, s21;
	v18 =	vadd.f32 v19, v18  }
0xa6: {  	p0 =	sne.s32 s21, $0x8  }
.Ltmp3:
0xa7: {  	v18 =	vadd.f32 v62, v18;
	(pc) =	sbr.rel @p0 .LBB2_2-.Ltmp3, $4  }
0xa8: {  	_ = 	snop  }
0xa9: {  	v18 =	vadd.f32 v63, v18  }
0xaa: {  	s22 =	sand.u32 $0x3FFFFFF0, s22  }
0xab: {  	[tilespmem:s22+$0x9720] =	vst v18  }
0xac: {  	s20 =	sadd.s32 $0x1, s20  }
0xad: {  	p0 =	sne.s32 s20, s7  }
.Ltmp4:
0xae: {  	_ = 	snop;
	(pc) =	sbr.rel @p0 .LBB2_1-.Ltmp4, $4  }
0xaf: {  	[hbm4b:s6+s3] =	stream.linear.scatter [tilespmem:s19], [sflag:$0x3], $0x80, $0x38;
	[tilespmem:$0x97A0] =	vst v63  }
0xb0: {  	_ =	swait.ge [sflag:s8], $0x80  }
0xb1: {  	[sflag:s8] =	ssyncset.done $0x0  }
0xb2: {  	[sflag:s8] =	ssyncadd.s32 $0xFFFFFF80  }
0xb3: {  	_ =	sfence.sel $0x180000  }
0xb4: {  	[bflag:$0x0] =	sbarrier.arrive $0xFFFF  }
0xb5: {  	p0 =	sne.s32 s0, $0x0;
	_ =	strace $0x90000047  }
0xb6: {  	s0 =	sadd.s32 @!p0 $0x100000, s1;
	[bflag:$0x2] =	sbarrier.arrive $0xFFFF  }
0xb7: {  	[sflag:s0] =	ssyncadd.tile.s32 @!p0 $0x1;
	_ =	shalt  }
.Lfunc_end2:
_tile_overlayer_lowered:
.L_overlay_start_2:
0xb8: {  	(tag) =	ssettag $0x2  }
0xb9: {  	s0 =	rddreg [dreg:$0x0];
	s2 =	stileid.u32  }
0xba: {  	s1 =	rddreg [dreg:$0x1];
	p0 =	sne.s32 s2, $0x0  }
0xbb: {  	s3 =	rddreg [dreg:$0x2];
	[bflag:$0x3] =	sbarrier.arrive $0xFFFF;
	s2 =	simm.s32 @!p0 $0x1C03  }
0xbc: {  	[timem:s3], [sflag:s2] =	dma.local @!p0 [hbm:s0], s1  }
0xbd: {  	s0 =	simm.s32 @!p0 $0x3  }
0xbe: {  	_ =	swait.ge @!p0 [sflag:s0], s1  }
0xbf: {  	s1 =	ssub.s32 @!p0 $0x0, s1;
	[sflag:s0] =	ssyncset.done @!p0 $0x0  }
0xc0: {  	[sflag:s0] =	ssyncadd.s32 @!p0 s1  }
0xc1: {  	[bflag:$0x3] =	sbarrier.arrive $0xFFFF  }
0xc2: {  	_ =	shalt  }

</sc_bundles>
